<compile_context>
chip_gen: v7x
topology: tpu7x:2x2x1
jax: 0.10.2.dev20260603
libtpu: 0.0.44.dev20260713+nightly
codegen_flags: <defaults>
</compile_context>

<pallas_src>
import functools

import jax
import jax.numpy as jnp
from jax import lax
from jax.experimental import pallas as pl
from jax.experimental.pallas import tpu as pltpu
from jax.experimental.pallas import tpu_sc as plsc

_B = 4096
_D = 128
_NSQ = 64
_NTOK = _NSQ + 7
_STRIDE = 648
_MAT_OFF = 448
_CTX_OFF = 512
_NTOT = _NSQ * _STRIDE
_EPS = 1e-5

_SQS = 8
_TSTEPS = _NSQ // _SQS

_NW = 32
_BPW = _B // _NW
_PTOK = 72
_NB = 4
_NSUP = _BPW // (2 * _NB)


def _table_body(pt_ref, cw_ref, cb_ref, sq_ref, aw_ref, ab_ref, ps_ref,
                iso_ref, db_ref, tt_ref, ct_ref, et_ref, pht_ref, ckt_ref,
                mt_ref, mb_ref, mw_ref, mvb_ref, g_ref, bt_ref, out_ref,
                fused_scr, ctx_scr):
    g = g_ref[...]
    bb = bt_ref[...]

    def ln(x):
        m = jnp.mean(x, axis=-1, keepdims=True)
        xc = x - m
        v = jnp.mean(xc * xc, axis=-1, keepdims=True)
        return xc * lax.rsqrt(v + _EPS) * g + bb

    i = pl.program_id(0)

    @pl.when(i == 0)
    def _():
        pt = pt_ref[...]
        cb = cb_ref[...]
        p0 = (jnp.dot(pt, cw_ref[0], preferred_element_type=jnp.float32)
              + cb[0:1])
        p1 = (jnp.dot(pt, cw_ref[1], preferred_element_type=jnp.float32)
              + cb[1:2])
        proj14 = jnp.concatenate([p0[:, None, :], p1[:, None, :]], axis=1)
        proj14 = proj14.reshape(14, 1, _D)

        aw = aw_ref[...]
        ab = ab_ref[...]
        ps = ps_ref[...]
        iso = iso_ref[...]
        db = db_ref[...]
        f = lax.broadcasted_iota(jnp.int32, (32, 1), 0)
        bit = lambda k: ((f >> k) & 1).astype(jnp.float32)
        base0 = aw[0:1] + ab[0:1] + ps[0:1] + iso[0:1] + db[0:1]
        flag32 = (base0
                  + bit(4) * (aw[1:2] - aw[0:1])
                  + bit(3) * (ab[1:2] - ab[0:1])
                  + bit(2) * (ps[1:2] - ps[0:1])
                  + bit(1) * (iso[1:2] - iso[0:1])
                  + bit(0) * (db[1:2] - db[0:1]))

        fused_scr[...] = (proj14 + flag32.reshape(1, 32, _D)).reshape(448, _D)

        ctx = jnp.concatenate([tt_ref[...], ct_ref[...], et_ref[...],
                               pht_ref[...], ckt_ref[...], mt_ref[...]],
                              axis=0)
        ctx_scr[...] = ln(ctx)

    for s in range(_SQS):
        o = s * _STRIDE
        out_ref[o:o + 448] = ln(fused_scr[...] + sq_ref[s])

        m = mb_ref[s]
        mat = lax.dot_general(m, mw_ref[...], (((0,), (0,)), ((), ())),
                              preferred_element_type=jnp.float32)
        out_ref[o + _MAT_OFF:o + _CTX_OFF] = ln(mat + mvb_ref[...])

        out_ref[o + _CTX_OFF:o + _CTX_OFF + 132] = ctx_scr[...]
        out_ref[o + 644:o + _STRIDE] = jnp.zeros((4, _D), jnp.float32)


def _gather_body(table_hbm, idx_hbm, out_hbm, idx_v, bufs, gs0, gs1, ss0, ss1):
    wid = lax.axis_index("s") * 2 + lax.axis_index("c")
    base = wid * _BPW
    pltpu.sync_copy(idx_hbm.at[pl.ds(base * _PTOK, _BPW * _PTOK)], idx_v)
    gsem = (gs0, gs1)
    ssem = (ss0, ss1)

    def issue_gathers(g, p):
        for b in range(_NB):
            j = g * _NB + b
            pltpu.async_copy(
                table_hbm.at[idx_v.at[pl.ds(j * _PTOK, _NTOK)]],
                bufs.at[p, b], gsem[p])

    def drain_gathers(p):
        for b in range(_NB):
            pltpu.make_async_copy(out_hbm.at[base], bufs.at[p, b],
                                  gsem[p]).wait()

    def issue_store(g, p):
        pltpu.async_copy(bufs.at[p], out_hbm.at[pl.ds(base + g * _NB, _NB)],
                         ssem[p])

    def drain_store(p):
        pltpu.make_async_copy(bufs.at[p], out_hbm.at[pl.ds(base, _NB)],
                              ssem[p]).wait()

    issue_gathers(0, 0)

    def super_body(si, carry):
        g0 = si * 2

        @pl.when(si > 0)
        def _():
            drain_store(1)
        issue_gathers(g0 + 1, 1)
        drain_gathers(0)
        issue_store(g0, 0)
        drain_gathers(1)
        issue_store(g0 + 1, 1)

        @pl.when(si < _NSUP - 1)
        def _():
            drain_store(0)
            issue_gathers(g0 + 2, 0)
        return carry

    lax.fori_loop(0, _NSUP, super_body, 0)
    drain_store(0)
    drain_store(1)


def _sc_gather(table, idx_all):
    f = functools.partial(
        pl.kernel,
        mesh=plsc.VectorSubcoreMesh(core_axis_name="c", subcore_axis_name="s"),
        out_type=jax.ShapeDtypeStruct((_B, _NTOK, _D), jnp.float32),
        scratch_types=[
            pltpu.VMEM((_BPW * _PTOK,), jnp.int32),
            pltpu.VMEM((2, _NB, _NTOK, _D), jnp.float32),
            pltpu.SemaphoreType.DMA,
            pltpu.SemaphoreType.DMA,
            pltpu.SemaphoreType.DMA,
            pltpu.SemaphoreType.DMA,
        ],
    )(_gather_body)
    return f(table, idx_all)


@jax.jit
def kernel(piece_ids, color_ids, white_attacks, black_attacks, is_passed,
           is_isolated, is_doubled, material_balance, game_phase, is_check,
           mobility, turn, castling, ep, piece_table, color_W, color_b,
           square_table, turn_table, castling_table, ep_table, attack_w_table,
           attack_b_table, passed_table, isolated_table, doubled_table,
           material_W, material_b, phase_table, check_table, mobility_table,
           ln_gamma, ln_beta):
    full = lambda a: pl.BlockSpec(a.shape, lambda i: (0,) * a.ndim)

    sq_r = square_table.reshape(_NSQ, 1, _D)
    mb_r = material_balance.reshape(_NSQ, 1, 64)
    mw_r = material_W.reshape(1, _D)
    mvb_r = material_b.reshape(1, _D)
    g_r = ln_gamma.reshape(1, _D)
    b_r = ln_beta.reshape(1, _D)

    table = pl.pallas_call(
        _table_body,
        grid=(_TSTEPS,),
        in_specs=[
            full(piece_table), full(color_W), full(color_b),
            pl.BlockSpec((_SQS, 1, _D), lambda i: (i, 0, 0)),
            full(attack_w_table), full(attack_b_table), full(passed_table),
            full(isolated_table), full(doubled_table),
            full(turn_table), full(castling_table), full(ep_table),
            full(phase_table), full(check_table), full(mobility_table),
            pl.BlockSpec((_SQS, 1, 64), lambda i: (i, 0, 0)),
            full(mw_r), full(mvb_r), full(g_r), full(b_r),
        ],
        out_specs=pl.BlockSpec((_SQS * _STRIDE, _D), lambda i: (i, 0)),
        out_shape=jax.ShapeDtypeStruct((_NTOT, _D), jnp.float32),
        scratch_shapes=[
            pltpu.VMEM((448, _D), jnp.float32),
            pltpu.VMEM((132, _D), jnp.float32),
        ],
    )(piece_table, color_W, color_b, sq_r, attack_w_table, attack_b_table,
      passed_table, isolated_table, doubled_table, turn_table, castling_table,
      ep_table, phase_table, check_table, mobility_table, mb_r, mw_r, mvb_r,
      g_r, b_r)

    cidx = (piece_ids * 64 + color_ids * 32 + white_attacks * 16
            + black_attacks * 8 + is_passed * 4 + is_isolated * 2 + is_doubled)
    t_iota = jnp.arange(_NSQ, dtype=jnp.int32)[None, :]
    idx_sq = t_iota * _STRIDE + cidx
    b_iota = jnp.arange(_B, dtype=jnp.int32)
    blk_base = (b_iota // 64) * _STRIDE
    cbase = blk_base + _CTX_OFF
    idx_ctx = jnp.stack([
        cbase + turn,
        cbase + 2 + castling,
        cbase + 18 + ep,
        blk_base + _MAT_OFF + (b_iota % 64),
        cbase + 27 + game_phase,
        cbase + 30 + is_check,
        cbase + 32 + jnp.clip(mobility, 0, 99),
    ], axis=1)
    pad = jnp.zeros((_B, _PTOK - _NTOK), jnp.int32)
    idx_all = jnp.concatenate([idx_sq, idx_ctx, pad], axis=1).reshape(-1)
    idx_all = idx_all.astype(jnp.int32)

    return _sc_gather(table, idx_all)

# --- scband reference (transcript-rebuilt; emitter-appended) ---
"""Pipeline reference for scband-enriched-board-encoder-64768106824190 (READ-ONLY COPY).

The authoritative reference and input builder live on the scoring server;
editing this copy changes nothing except your own understanding.
"""

import jax, jax.numpy as jnp
import numpy as np

B = 4096
D = 128

def setup_inputs(seed: int = 0) -> dict:
    key = jax.random.key(seed)
    ks = jax.random.split(key, 40)
    inp = {}
    inp["piece_ids"] = jax.random.randint(ks[0], (B, 64), 0, 7)
    inp["color_ids"] = jax.random.randint(ks[1], (B, 64), 0, 2)
    inp["white_attacks"] = jax.random.randint(ks[2], (B, 64), 0, 2)
    inp["black_attacks"] = jax.random.randint(ks[3], (B, 64), 0, 2)
    inp["is_passed"] = jax.random.randint(ks[4], (B, 64), 0, 2)
    inp["is_isolated"] = jax.random.randint(ks[5], (B, 64), 0, 2)
    inp["is_doubled"] = jax.random.randint(ks[6], (B, 64), 0, 2)
    inp["material_balance"] = jax.random.uniform(ks[7], (B, 1), dtype=jnp.float32)
    inp["game_phase"] = jax.random.randint(ks[8], (B,), 0, 3)
    inp["is_check"] = jax.random.randint(ks[9], (B,), 0, 2)
    inp["mobility"] = jax.random.randint(ks[10], (B,), 0, 100)
    inp["turn"] = jax.random.randint(ks[11], (B,), 0, 2)
    inp["castling"] = jax.random.randint(ks[12], (B,), 0, 16)
    inp["ep"] = jax.random.randint(ks[13], (B,), 0, 9)
    s = 0.02
    inp["piece_table"] = jax.random.normal(ks[14], (7, D), dtype=jnp.float32) * s
    inp["color_W"] = jax.random.normal(ks[15], (2, D, D), dtype=jnp.float32) * (1.0 / np.sqrt(D))
    inp["color_b"] = jnp.zeros((2, D), dtype=jnp.float32)
    inp["square_table"] = jax.random.normal(ks[16], (64, D), dtype=jnp.float32) * s
    inp["turn_table"] = jax.random.normal(ks[17], (2, D), dtype=jnp.float32) * s
    inp["castling_table"] = jax.random.normal(ks[18], (16, D), dtype=jnp.float32) * s
    inp["ep_table"] = jax.random.normal(ks[19], (9, D), dtype=jnp.float32) * s
    inp["attack_w_table"] = jax.random.normal(ks[20], (2, D), dtype=jnp.float32) * s
    inp["attack_b_table"] = jax.random.normal(ks[21], (2, D), dtype=jnp.float32) * s
    inp["passed_table"] = jax.random.normal(ks[22], (2, D), dtype=jnp.float32) * s
    inp["isolated_table"] = jax.random.normal(ks[23], (2, D), dtype=jnp.float32) * s
    inp["doubled_table"] = jax.random.normal(ks[24], (2, D), dtype=jnp.float32) * s
    inp["material_W"] = jax.random.normal(ks[25], (1, D), dtype=jnp.float32) * s
    inp["material_b"] = jnp.zeros((D,), dtype=jnp.float32)
    inp["phase_table"] = jax.random.normal(ks[26], (3, D), dtype=jnp.float32) * s
    inp["check_table"] = jax.random.normal(ks[27], (2, D), dtype=jnp.float32) * s
    inp["mobility_table"] = jax.random.normal(ks[28], (100, D), dtype=jnp.float32) * s
    inp["ln_gamma"] = jnp.ones((D,), dtype=jnp.float32)
    inp["ln_beta"] = jnp.zeros((D,), dtype=jnp.float32)
    return inp

def _layernorm(x, g, b):
    m = x.mean(-1, keepdims=True)
    v = ((x - m) ** 2).mean(-1, keepdims=True)
    return (x - m) / jnp.sqrt(v + 1e-5) * g + b

def reference(piece_ids, color_ids, white_attacks, black_attacks, is_passed, is_isolated, is_doubled, material_balance, game_phase, is_check, mobility, turn, castling, ep, piece_table, color_W, color_b, square_table, turn_table, castling_table, ep_table, attack_w_table, attack_b_table, passed_table, isolated_table, doubled_table, material_W, material_b, phase_table, check_table, mobility_table, ln_gamma, ln_beta):
    piece_emb = piece_table[piece_ids]  # (B, 64, D) gather
    # per-color linear projections stacked on dim 2, then select via one-hot
    proj_stack = jnp.einsum('btd,cde->btce', piece_emb, color_W) + color_b[None, None, :, :]
    color_sel = jax.nn.one_hot(color_ids, 2, dtype=jnp.float32)  # (B, 64, 2)
    sq_emb = (proj_stack * color_sel[..., None]).sum(axis=2)  # (B, 64, D)
    sq_emb = sq_emb + square_table[None, :, :]
    sq_emb = sq_emb + attack_w_table[white_attacks]
    sq_emb = sq_emb + attack_b_table[black_attacks]
    sq_emb = sq_emb + passed_table[is_passed]
    sq_emb = sq_emb + isolated_table[is_isolated]
    sq_emb = sq_emb + doubled_table[is_doubled]
    ctx = jnp.stack([
        turn_table[turn],
        castling_table[castling],
        ep_table[ep],
        material_balance @ material_W + material_b,
        phase_table[game_phase],
        check_table[is_check],
        mobility_table[jnp.clip(mobility, 0, 99)],
    ], axis=1)  # (B, 7, D)
    tokens = jnp.concatenate([sq_emb, ctx], axis=1)  # (B, 71, D)
    return _layernorm(tokens, ln_gamma, ln_beta)

if __name__ == "__main__":
    import jax
    _d = setup_inputs()
    print(jax.jit(kernel)(*tuple(_d.values())))

</pallas_src>

<mosaic_0001>
#map = affine_map<(d0, d1) -> (0, 0)>
#map1 = affine_map<(d0, d1) -> (0)>
#map2 = affine_map<(d0, d1) -> (0, 0, 0)>
module attributes {stable_mosaic.version = 14 : i64} {
  func.func @_gather_body(%arg0: i32, %arg1: i32, %arg2: memref<41472x128xf32, #tpu.memory_space<hbm>>, %arg3: memref<294912xi32, #tpu.memory_space<hbm>>, %arg4: memref<4096x71x128xf32, #tpu.memory_space<hbm>>, %arg5: memref<9216xi32, #tpu.memory_space<vmem>>, %arg6: memref<2x4x71x128xf32, #tpu.memory_space<vmem>>, %arg7: memref<!tpu.dma_semaphore, #tpu.memory_space<semaphore_mem>>, %arg8: memref<!tpu.dma_semaphore, #tpu.memory_space<semaphore_mem>>, %arg9: memref<!tpu.dma_semaphore, #tpu.memory_space<semaphore_mem>>, %arg10: memref<!tpu.dma_semaphore, #tpu.memory_space<semaphore_mem>>) attributes {dimension_semantics = [#tpu.dimension_semantics<core_parallel>, #tpu.dimension_semantics<subcore_parallel>], iteration_bounds = array<i64: 2, 16>, scalar_prefetch = 0 : i64, scratch_operands = 6 : i64, tpu.core_type = #tpu.core_type<sc_vector_subcore>, window_params = [{transform_indices = #map}, {transform_indices = #map1}, {transform_indices = #map2}]} {
    %mul3A = arith.constant 2 : i32
    %mul3A_0 = arith.muli %arg1, %mul3A : i32
    %add3A = arith.addi %mul3A_0, %arg0 : i32
    %mul3A_1 = arith.constant 128 : i32
    %mul3A_2 = arith.muli %add3A, %mul3A_1 : i32
    %mul3A_3 = arith.constant 72 : i32
    %mul3A_4 = arith.muli %mul3A_2, %mul3A_3 : i32
    "tpu.region"() ({
      %run_scoped3A = tpu.sem_alloc : memref<!tpu.dma_semaphore, #tpu.memory_space<semaphore_mem>>
      %dma_start3A_86 = tpu.memref_slice %arg3[%mul3A_4] : memref<294912xi32, #tpu.memory_space<hbm>> -> memref<9216xi32, #tpu.memory_space<hbm>>
      %dma_start3A_87 = tpu.memref_slice %arg3[%mul3A_4] : memref<294912xi32, #tpu.memory_space<hbm>> -> memref<9216xi32, #tpu.memory_space<hbm>>
      tpu.enqueue_dma source(%dma_start3A_87 : memref<9216xi32, #tpu.memory_space<hbm>>) target(%arg5 : memref<9216xi32, #tpu.memory_space<vmem>>) target_semaphore(%run_scoped3A : memref<!tpu.dma_semaphore, #tpu.memory_space<semaphore_mem>>)
      %dma_wait3A_88 = tpu.memref_slice %arg3[%mul3A_4] : memref<294912xi32, #tpu.memory_space<hbm>> -> memref<9216xi32, #tpu.memory_space<hbm>>
      %dma_wait3A_89 = tpu.memref_slice %arg3[%mul3A_4] : memref<294912xi32, #tpu.memory_space<hbm>> -> memref<9216xi32, #tpu.memory_space<hbm>>
      tpu.wait_dma2 semaphore(%run_scoped3A : memref<!tpu.dma_semaphore, #tpu.memory_space<semaphore_mem>>) src(%dma_wait3A_89 : memref<9216xi32, #tpu.memory_space<hbm>>) dst(%arg5 : memref<9216xi32, #tpu.memory_space<vmem>>)
      tpu.yield
    }) : () -> ()
    %dma_start3A = arith.constant 0 : i32
    %dma_start3A_5 = arith.constant 0 : i32
    %dma_start3A_6 = arith.constant 0 : i32
    %dma_start3A_7 = arith.constant 0 : i32
    %dma_start3A_8 = tpu.memref_slice %arg6[%dma_start3A, %dma_start3A_5, %dma_start3A_6, %dma_start3A_7] : memref<2x4x71x128xf32, #tpu.memory_space<vmem>> -> memref<1x1x71x128xf32, #tpu.memory_space<vmem>>
    %dma_start3A_9 = tpu.memref_squeeze %dma_start3A_8 : memref<1x1x71x128xf32, #tpu.memory_space<vmem>> -> memref<71x128xf32, #tpu.memory_space<vmem>>
    %dma_start3A_10 = arith.constant 0 : i32
    %dma_start3A_11 = tpu.memref_slice %arg5[%dma_start3A_10] : memref<9216xi32, #tpu.memory_space<vmem>> -> memref<71xi32, #tpu.memory_space<vmem>>
    %dma_start3A_12 = arith.constant 0 : i32
    %dma_start3A_13 = arith.constant 0 : i32
    %dma_start3A_14 = tpu.memref_slice %arg2[%dma_start3A_12, %dma_start3A_13] : memref<41472x128xf32, #tpu.memory_space<hbm>> -> memref<41472x128xf32, #tpu.memory_space<hbm>>
    tpu.enqueue_indirect_dma source(%dma_start3A_14 : memref<41472x128xf32, #tpu.memory_space<hbm>>) target(%dma_start3A_9 : memref<71x128xf32, #tpu.memory_space<vmem>>) offsets(%dma_start3A_11 : memref<71xi32, #tpu.memory_space<vmem>>) semaphore(%arg7 : memref<!tpu.dma_semaphore, #tpu.memory_space<semaphore_mem>>)
    %dma_start3A_15 = arith.constant 0 : i32
    %dma_start3A_16 = arith.constant 1 : i32
    %dma_start3A_17 = arith.constant 0 : i32
    %dma_start3A_18 = arith.constant 0 : i32
    %dma_start3A_19 = tpu.memref_slice %arg6[%dma_start3A_15, %dma_start3A_16, %dma_start3A_17, %dma_start3A_18] : memref<2x4x71x128xf32, #tpu.memory_space<vmem>> -> memref<1x1x71x128xf32, #tpu.memory_space<vmem>>
    %dma_start3A_20 = tpu.memref_squeeze %dma_start3A_19 : memref<1x1x71x128xf32, #tpu.memory_space<vmem>> -> memref<71x128xf32, #tpu.memory_space<vmem>>
    %dma_start3A_21 = arith.constant 72 : i32
    %dma_start3A_22 = tpu.memref_slice %arg5[%dma_start3A_21] : memref<9216xi32, #tpu.memory_space<vmem>> -> memref<71xi32, #tpu.memory_space<vmem>>
    %dma_start3A_23 = arith.constant 0 : i32
    %dma_start3A_24 = arith.constant 0 : i32
    %dma_start3A_25 = tpu.memref_slice %arg2[%dma_start3A_23, %dma_start3A_24] : memref<41472x128xf32, #tpu.memory_space<hbm>> -> memref<41472x128xf32, #tpu.memory_space<hbm>>
    tpu.enqueue_indirect_dma source(%dma_start3A_25 : memref<41472x128xf32, #tpu.memory_space<hbm>>) target(%dma_start3A_20 : memref<71x128xf32, #tpu.memory_space<vmem>>) offsets(%dma_start3A_22 : memref<71xi32, #tpu.memory_space<vmem>>) semaphore(%arg7 : memref<!tpu.dma_semaphore, #tpu.memory_space<semaphore_mem>>)
    %dma_start3A_26 = arith.constant 0 : i32
    %dma_start3A_27 = arith.constant 2 : i32
    %dma_start3A_28 = arith.constant 0 : i32
    %dma_start3A_29 = arith.constant 0 : i32
    %dma_start3A_30 = tpu.memref_slice %arg6[%dma_start3A_26, %dma_start3A_27, %dma_start3A_28, %dma_start3A_29] : memref<2x4x71x128xf32, #tpu.memory_space<vmem>> -> memref<1x1x71x128xf32, #tpu.memory_space<vmem>>
    %dma_start3A_31 = tpu.memref_squeeze %dma_start3A_30 : memref<1x1x71x128xf32, #tpu.memory_space<vmem>> -> memref<71x128xf32, #tpu.memory_space<vmem>>
    %dma_start3A_32 = arith.constant 144 : i32
    %dma_start3A_33 = tpu.memref_slice %arg5[%dma_start3A_32] : memref<9216xi32, #tpu.memory_space<vmem>> -> memref<71xi32, #tpu.memory_space<vmem>>
    %dma_start3A_34 = arith.constant 0 : i32
    %dma_start3A_35 = arith.constant 0 : i32
    %dma_start3A_36 = tpu.memref_slice %arg2[%dma_start3A_34, %dma_start3A_35] : memref<41472x128xf32, #tpu.memory_space<hbm>> -> memref<41472x128xf32, #tpu.memory_space<hbm>>
    tpu.enqueue_indirect_dma source(%dma_start3A_36 : memref<41472x128xf32, #tpu.memory_space<hbm>>) target(%dma_start3A_31 : memref<71x128xf32, #tpu.memory_space<vmem>>) offsets(%dma_start3A_33 : memref<71xi32, #tpu.memory_space<vmem>>) semaphore(%arg7 : memref<!tpu.dma_semaphore, #tpu.memory_space<semaphore_mem>>)
    %dma_start3A_37 = arith.constant 0 : i32
    %dma_start3A_38 = arith.constant 3 : i32
    %dma_start3A_39 = arith.constant 0 : i32
    %dma_start3A_40 = arith.constant 0 : i32
    %dma_start3A_41 = tpu.memref_slice %arg6[%dma_start3A_37, %dma_start3A_38, %dma_start3A_39, %dma_start3A_40] : memref<2x4x71x128xf32, #tpu.memory_space<vmem>> -> memref<1x1x71x128xf32, #tpu.memory_space<vmem>>
    %dma_start3A_42 = tpu.memref_squeeze %dma_start3A_41 : memref<1x1x71x128xf32, #tpu.memory_space<vmem>> -> memref<71x128xf32, #tpu.memory_space<vmem>>
    %dma_start3A_43 = arith.constant 216 : i32
    %dma_start3A_44 = tpu.memref_slice %arg5[%dma_start3A_43] : memref<9216xi32, #tpu.memory_space<vmem>> -> memref<71xi32, #tpu.memory_space<vmem>>
    %dma_start3A_45 = arith.constant 0 : i32
    %dma_start3A_46 = arith.constant 0 : i32
    %dma_start3A_47 = tpu.memref_slice %arg2[%dma_start3A_45, %dma_start3A_46] : memref<41472x128xf32, #tpu.memory_space<hbm>> -> memref<41472x128xf32, #tpu.memory_space<hbm>>
    tpu.enqueue_indirect_dma source(%dma_start3A_47 : memref<41472x128xf32, #tpu.memory_space<hbm>>) target(%dma_start3A_42 : memref<71x128xf32, #tpu.memory_space<vmem>>) offsets(%dma_start3A_44 : memref<71xi32, #tpu.memory_space<vmem>>) semaphore(%arg7 : memref<!tpu.dma_semaphore, #tpu.memory_space<semaphore_mem>>)
    %scan3A = arith.constant 0 : i32
    %scan3A_48 = arith.constant 0 : i32
    %scan3A_49 = arith.constant 16 : i32
    %scan3A_50 = arith.addi %scan3A_48, %scan3A_49 : i32
    %scan3A_51 = arith.constant 1 : i32
    scf.for %scan3A_86 = %scan3A_48 to %scan3A_50 step %scan3A_51  : i32 {
      %mul3A_87 = arith.constant 2 : i32
      %mul3A_88 = arith.muli %scan3A_86, %mul3A_87 : i32
      %gt3A = arith.constant 0 : i32
      %gt3A_89 = arith.cmpi sgt, %scan3A_86, %gt3A : i32
      %convert_element_type3A = arith.extui %gt3A_89 : i1 to i32
      %cond3A = arith.constant 0 : i32
      %cond3A_90 = arith.cmpi ne, %convert_element_type3A, %cond3A : i32
      scf.if %cond3A_90 {
        %dma_wait3A_347 = arith.constant 1 : i32
        %dma_wait3A_348 = arith.constant 0 : i32
        %dma_wait3A_349 = arith.constant 0 : i32
        %dma_wait3A_350 = arith.constant 0 : i32
        %dma_wait3A_351 = tpu.memref_slice %arg6[%dma_wait3A_347, %dma_wait3A_348, %dma_wait3A_349, %dma_wait3A_350] : memref<2x4x71x128xf32, #tpu.memory_space<vmem>> -> memref<1x4x71x128xf32, #tpu.memory_space<vmem>>
        %dma_wait3A_352 = tpu.memref_squeeze %dma_wait3A_351 : memref<1x4x71x128xf32, #tpu.memory_space<vmem>> -> memref<4x71x128xf32, #tpu.memory_space<vmem>>
        %dma_wait3A_353 = arith.constant 0 : i32
        %dma_wait3A_354 = arith.constant 0 : i32
        %dma_wait3A_355 = tpu.memref_slice %arg4[%mul3A_2, %dma_wait3A_353, %dma_wait3A_354] : memref<4096x71x128xf32, #tpu.memory_space<hbm>> -> memref<4x71x128xf32, #tpu.memory_space<hbm>>
        %dma_wait3A_356 = arith.constant 0 : i32
        %dma_wait3A_357 = arith.constant 0 : i32
        %dma_wait3A_358 = tpu.memref_slice %arg4[%mul3A_2, %dma_wait3A_356, %dma_wait3A_357] : memref<4096x71x128xf32, #tpu.memory_space<hbm>> -> memref<4x71x128xf32, #tpu.memory_space<hbm>>
        %dma_wait3A_359 = arith.constant 0 : i32
        %dma_wait3A_360 = arith.constant 0 : i32
        %dma_wait3A_361 = arith.constant 0 : i32
        %dma_wait3A_362 = tpu.memref_slice %arg6[%dma_wait3A_347, %dma_wait3A_359, %dma_wait3A_360, %dma_wait3A_361] : memref<2x4x71x128xf32, #tpu.memory_space<vmem>> -> memref<1x4x71x128xf32, #tpu.memory_space<vmem>>
        %dma_wait3A_363 = tpu.memref_squeeze %dma_wait3A_362 : memref<1x4x71x128xf32, #tpu.memory_space<vmem>> -> memref<4x71x128xf32, #tpu.memory_space<vmem>>
        tpu.wait_dma2 semaphore(%arg10 : memref<!tpu.dma_semaphore, #tpu.memory_space<semaphore_mem>>) src(%dma_wait3A_363 : memref<4x71x128xf32, #tpu.memory_space<vmem>>) dst(%dma_wait3A_358 : memref<4x71x128xf32, #tpu.memory_space<hbm>>)
      } else {
      }
      %add3A_91 = arith.constant 1 : i32
      %add3A_92 = arith.addi %mul3A_88, %add3A_91 : i32
      %mul3A_93 = arith.constant 4 : i32
      %mul3A_94 = arith.muli %add3A_92, %mul3A_93 : i32
      %add3A_95 = arith.constant 0 : i32
      %add3A_96 = arith.addi %mul3A_94, %add3A_95 : i32
      %mul3A_97 = arith.constant 72 : i32
      %mul3A_98 = arith.muli %add3A_96, %mul3A_97 : i32
      %dma_start3A_99 = arith.constant 1 : i32
      %dma_start3A_100 = arith.constant 0 : i32
      %dma_start3A_101 = arith.constant 0 : i32
      %dma_start3A_102 = arith.constant 0 : i32
      %dma_start3A_103 = tpu.memref_slice %arg6[%dma_start3A_99, %dma_start3A_100, %dma_start3A_101, %dma_start3A_102] : memref<2x4x71x128xf32, #tpu.memory_space<vmem>> -> memref<1x1x71x128xf32, #tpu.memory_space<vmem>>
      %dma_start3A_104 = tpu.memref_squeeze %dma_start3A_103 : memref<1x1x71x128xf32, #tpu.memory_space<vmem>> -> memref<71x128xf32, #tpu.memory_space<vmem>>
      %dma_start3A_105 = tpu.memref_slice %arg5[%mul3A_98] : memref<9216xi32, #tpu.memory_space<vmem>> -> memref<71xi32, #tpu.memory_space<vmem>>
      %dma_start3A_106 = arith.constant 0 : i32
      %dma_start3A_107 = arith.constant 0 : i32
      %dma_start3A_108 = tpu.memref_slice %arg2[%dma_start3A_106, %dma_start3A_107] : memref<41472x128xf32, #tpu.memory_space<hbm>> -> memref<41472x128xf32, #tpu.memory_space<hbm>>
      tpu.enqueue_indirect_dma source(%dma_start3A_108 : memref<41472x128xf32, #tpu.memory_space<hbm>>) target(%dma_start3A_104 : memref<71x128xf32, #tpu.memory_space<vmem>>) offsets(%dma_start3A_105 : memref<71xi32, #tpu.memory_space<vmem>>) semaphore(%arg8 : memref<!tpu.dma_semaphore, #tpu.memory_space<semaphore_mem>>)
      %mul3A_109 = arith.constant 4 : i32
      %mul3A_110 = arith.muli %add3A_92, %mul3A_109 : i32
      %add3A_111 = arith.constant 1 : i32
      %add3A_112 = arith.addi %mul3A_110, %add3A_111 : i32
      %mul3A_113 = arith.constant 72 : i32
      %mul3A_114 = arith.muli %add3A_112, %mul3A_113 : i32
      %dma_start3A_115 = arith.constant 1 : i32
      %dma_start3A_116 = arith.constant 1 : i32
      %dma_start3A_117 = arith.constant 0 : i32
      %dma_start3A_118 = arith.constant 0 : i32
      %dma_start3A_119 = tpu.memref_slice %arg6[%dma_start3A_115, %dma_start3A_116, %dma_start3A_117, %dma_start3A_118] : memref<2x4x71x128xf32, #tpu.memory_space<vmem>> -> memref<1x1x71x128xf32, #tpu.memory_space<vmem>>
      %dma_start3A_120 = tpu.memref_squeeze %dma_start3A_119 : memref<1x1x71x128xf32, #tpu.memory_space<vmem>> -> memref<71x128xf32, #tpu.memory_space<vmem>>
      %dma_start3A_121 = tpu.memref_slice %arg5[%mul3A_114] : memref<9216xi32, #tpu.memory_space<vmem>> -> memref<71xi32, #tpu.memory_space<vmem>>
      %dma_start3A_122 = arith.constant 0 : i32
      %dma_start3A_123 = arith.constant 0 : i32
      %dma_start3A_124 = tpu.memref_slice %arg2[%dma_start3A_122, %dma_start3A_123] : memref<41472x128xf32, #tpu.memory_space<hbm>> -> memref<41472x128xf32, #tpu.memory_space<hbm>>
      tpu.enqueue_indirect_dma source(%dma_start3A_124 : memref<41472x128xf32, #tpu.memory_space<hbm>>) target(%dma_start3A_120 : memref<71x128xf32, #tpu.memory_space<vmem>>) offsets(%dma_start3A_121 : memref<71xi32, #tpu.memory_space<vmem>>) semaphore(%arg8 : memref<!tpu.dma_semaphore, #tpu.memory_space<semaphore_mem>>)
      %mul3A_125 = arith.constant 4 : i32
      %mul3A_126 = arith.muli %add3A_92, %mul3A_125 : i32
      %add3A_127 = arith.constant 2 : i32
      %add3A_128 = arith.addi %mul3A_126, %add3A_127 : i32
      %mul3A_129 = arith.constant 72 : i32
      %mul3A_130 = arith.muli %add3A_128, %mul3A_129 : i32
      %dma_start3A_131 = arith.constant 1 : i32
      %dma_start3A_132 = arith.constant 2 : i32
      %dma_start3A_133 = arith.constant 0 : i32
      %dma_start3A_134 = arith.constant 0 : i32
      %dma_start3A_135 = tpu.memref_slice %arg6[%dma_start3A_131, %dma_start3A_132, %dma_start3A_133, %dma_start3A_134] : memref<2x4x71x128xf32, #tpu.memory_space<vmem>> -> memref<1x1x71x128xf32, #tpu.memory_space<vmem>>
      %dma_start3A_136 = tpu.memref_squeeze %dma_start3A_135 : memref<1x1x71x128xf32, #tpu.memory_space<vmem>> -> memref<71x128xf32, #tpu.memory_space<vmem>>
      %dma_start3A_137 = tpu.memref_slice %arg5[%mul3A_130] : memref<9216xi32, #tpu.memory_space<vmem>> -> memref<71xi32, #tpu.memory_space<vmem>>
      %dma_start3A_138 = arith.constant 0 : i32
      %dma_start3A_139 = arith.constant 0 : i32
      %dma_start3A_140 = tpu.memref_slice %arg2[%dma_start3A_138, %dma_start3A_139] : memref<41472x128xf32, #tpu.memory_space<hbm>> -> memref<41472x128xf32, #tpu.memory_space<hbm>>
      tpu.enqueue_indirect_dma source(%dma_start3A_140 : memref<41472x128xf32, #tpu.memory_space<hbm>>) target(%dma_start3A_136 : memref<71x128xf32, #tpu.memory_space<vmem>>) offsets(%dma_start3A_137 : memref<71xi32, #tpu.memory_space<vmem>>) semaphore(%arg8 : memref<!tpu.dma_semaphore, #tpu.memory_space<semaphore_mem>>)
      %mul3A_141 = arith.constant 4 : i32
      %mul3A_142 = arith.muli %add3A_92, %mul3A_141 : i32
      %add3A_143 = arith.constant 3 : i32
      %add3A_144 = arith.addi %mul3A_142, %add3A_143 : i32
      %mul3A_145 = arith.constant 72 : i32
      %mul3A_146 = arith.muli %add3A_144, %mul3A_145 : i32
      %dma_start3A_147 = arith.constant 1 : i32
      %dma_start3A_148 = arith.constant 3 : i32
      %dma_start3A_149 = arith.constant 0 : i32
      %dma_start3A_150 = arith.constant 0 : i32
      %dma_start3A_151 = tpu.memref_slice %arg6[%dma_start3A_147, %dma_start3A_148, %dma_start3A_149, %dma_start3A_150] : memref<2x4x71x128xf32, #tpu.memory_space<vmem>> -> memref<1x1x71x128xf32, #tpu.memory_space<vmem>>
      %dma_start3A_152 = tpu.memref_squeeze %dma_start3A_151 : memref<1x1x71x128xf32, #tpu.memory_space<vmem>> -> memref<71x128xf32, #tpu.memory_space<vmem>>
      %dma_start3A_153 = tpu.memref_slice %arg5[%mul3A_146] : memref<9216xi32, #tpu.memory_space<vmem>> -> memref<71xi32, #tpu.memory_space<vmem>>
      %dma_start3A_154 = arith.constant 0 : i32
      %dma_start3A_155 = arith.constant 0 : i32
      %dma_start3A_156 = tpu.memref_slice %arg2[%dma_start3A_154, %dma_start3A_155] : memref<41472x128xf32, #tpu.memory_space<hbm>> -> memref<41472x128xf32, #tpu.memory_space<hbm>>
      tpu.enqueue_indirect_dma source(%dma_start3A_156 : memref<41472x128xf32, #tpu.memory_space<hbm>>) target(%dma_start3A_152 : memref<71x128xf32, #tpu.memory_space<vmem>>) offsets(%dma_start3A_153 : memref<71xi32, #tpu.memory_space<vmem>>) semaphore(%arg8 : memref<!tpu.dma_semaphore, #tpu.memory_space<semaphore_mem>>)
      %dma_wait3A_157 = arith.constant 0 : i32
      %dma_wait3A_158 = arith.constant 0 : i32
      %dma_wait3A_159 = arith.constant 0 : i32
      %dma_wait3A_160 = arith.constant 0 : i32
      %dma_wait3A_161 = tpu.memref_slice %arg6[%dma_wait3A_157, %dma_wait3A_158, %dma_wait3A_159, %dma_wait3A_160] : memref<2x4x71x128xf32, #tpu.memory_space<vmem>> -> memref<1x1x71x128xf32, #tpu.memory_space<vmem>>
      %dma_wait3A_162 = tpu.memref_squeeze %dma_wait3A_161 : memref<1x1x71x128xf32, #tpu.memory_space<vmem>> -> memref<71x128xf32, #tpu.memory_space<vmem>>
      %dma_wait3A_163 = arith.constant 0 : i32
      %dma_wait3A_164 = arith.constant 0 : i32
      %dma_wait3A_165 = tpu.memref_slice %arg4[%mul3A_2, %dma_wait3A_163, %dma_wait3A_164] : memref<4096x71x128xf32, #tpu.memory_space<hbm>> -> memref<1x71x128xf32, #tpu.memory_space<hbm>>
      %dma_wait3A_166 = tpu.memref_squeeze %dma_wait3A_165 : memref<1x71x128xf32, #tpu.memory_space<hbm>> -> memref<71x128xf32, #tpu.memory_space<hbm>>
      %dma_wait3A_167 = arith.constant 0 : i32
      %dma_wait3A_168 = arith.constant 0 : i32
      %dma_wait3A_169 = tpu.memref_slice %arg6[%dma_wait3A_157, %dma_wait3A_158, %dma_wait3A_167, %dma_wait3A_168] : memref<2x4x71x128xf32, #tpu.memory_space<vmem>> -> memref<1x1x71x128xf32, #tpu.memory_space<vmem>>
      %dma_wait3A_170 = tpu.memref_squeeze %dma_wait3A_169 : memref<1x1x71x128xf32, #tpu.memory_space<vmem>> -> memref<71x128xf32, #tpu.memory_space<vmem>>
      %dma_wait3A_171 = arith.constant 0 : i32
      %dma_wait3A_172 = arith.constant 0 : i32
      %dma_wait3A_173 = tpu.memref_slice %arg4[%mul3A_2, %dma_wait3A_171, %dma_wait3A_172] : memref<4096x71x128xf32, #tpu.memory_space<hbm>> -> memref<1x71x128xf32, #tpu.memory_space<hbm>>
      %dma_wait3A_174 = tpu.memref_squeeze %dma_wait3A_173 : memref<1x71x128xf32, #tpu.memory_space<hbm>> -> memref<71x128xf32, #tpu.memory_space<hbm>>
      tpu.wait_dma2 semaphore(%arg7 : memref<!tpu.dma_semaphore, #tpu.memory_space<semaphore_mem>>) src(%dma_wait3A_174 : memref<71x128xf32, #tpu.memory_space<hbm>>) dst(%dma_wait3A_170 : memref<71x128xf32, #tpu.memory_space<vmem>>)
      %dma_wait3A_175 = arith.constant 0 : i32
      %dma_wait3A_176 = arith.constant 1 : i32
      %dma_wait3A_177 = arith.constant 0 : i32
      %dma_wait3A_178 = arith.constant 0 : i32
      %dma_wait3A_179 = tpu.memref_slice %arg6[%dma_wait3A_175, %dma_wait3A_176, %dma_wait3A_177, %dma_wait3A_178] : memref<2x4x71x128xf32, #tpu.memory_space<vmem>> -> memref<1x1x71x128xf32, #tpu.memory_space<vmem>>
      %dma_wait3A_180 = tpu.memref_squeeze %dma_wait3A_179 : memref<1x1x71x128xf32, #tpu.memory_space<vmem>> -> memref<71x128xf32, #tpu.memory_space<vmem>>
      %dma_wait3A_181 = arith.constant 0 : i32
      %dma_wait3A_182 = arith.constant 0 : i32
      %dma_wait3A_183 = tpu.memref_slice %arg4[%mul3A_2, %dma_wait3A_181, %dma_wait3A_182] : memref<4096x71x128xf32, #tpu.memory_space<hbm>> -> memref<1x71x128xf32, #tpu.memory_space<hbm>>
      %dma_wait3A_184 = tpu.memref_squeeze %dma_wait3A_183 : memref<1x71x128xf32, #tpu.memory_space<hbm>> -> memref<71x128xf32, #tpu.memory_space<hbm>>
      %dma_wait3A_185 = arith.constant 0 : i32
      %dma_wait3A_186 = arith.constant 0 : i32
      %dma_wait3A_187 = tpu.memref_slice %arg6[%dma_wait3A_175, %dma_wait3A_176, %dma_wait3A_185, %dma_wait3A_186] : memref<2x4x71x128xf32, #tpu.memory_space<vmem>> -> memref<1x1x71x128xf32, #tpu.memory_space<vmem>>
      %dma_wait3A_188 = tpu.memref_squeeze %dma_wait3A_187 : memref<1x1x71x128xf32, #tpu.memory_space<vmem>> -> memref<71x128xf32, #tpu.memory_space<vmem>>
      %dma_wait3A_189 = arith.constant 0 : i32
      %dma_wait3A_190 = arith.constant 0 : i32
      %dma_wait3A_191 = tpu.memref_slice %arg4[%mul3A_2, %dma_wait3A_189, %dma_wait3A_190] : memref<4096x71x128xf32, #tpu.memory_space<hbm>> -> memref<1x71x128xf32, #tpu.memory_space<hbm>>
      %dma_wait3A_192 = tpu.memref_squeeze %dma_wait3A_191 : memref<1x71x128xf32, #tpu.memory_space<hbm>> -> memref<71x128xf32, #tpu.memory_space<hbm>>
      tpu.wait_dma2 semaphore(%arg7 : memref<!tpu.dma_semaphore, #tpu.memory_space<semaphore_mem>>) src(%dma_wait3A_192 : memref<71x128xf32, #tpu.memory_space<hbm>>) dst(%dma_wait3A_188 : memref<71x128xf32, #tpu.memory_space<vmem>>)
      %dma_wait3A_193 = arith.constant 0 : i32
      %dma_wait3A_194 = arith.constant 2 : i32
      %dma_wait3A_195 = arith.constant 0 : i32
      %dma_wait3A_196 = arith.constant 0 : i32
      %dma_wait3A_197 = tpu.memref_slice %arg6[%dma_wait3A_193, %dma_wait3A_194, %dma_wait3A_195, %dma_wait3A_196] : memref<2x4x71x128xf32, #tpu.memory_space<vmem>> -> memref<1x1x71x128xf32, #tpu.memory_space<vmem>>
      %dma_wait3A_198 = tpu.memref_squeeze %dma_wait3A_197 : memref<1x1x71x128xf32, #tpu.memory_space<vmem>> -> memref<71x128xf32, #tpu.memory_space<vmem>>
      %dma_wait3A_199 = arith.constant 0 : i32
      %dma_wait3A_200 = arith.constant 0 : i32
      %dma_wait3A_201 = tpu.memref_slice %arg4[%mul3A_2, %dma_wait3A_199, %dma_wait3A_200] : memref<4096x71x128xf32, #tpu.memory_space<hbm>> -> memref<1x71x128xf32, #tpu.memory_space<hbm>>
      %dma_wait3A_202 = tpu.memref_squeeze %dma_wait3A_201 : memref<1x71x128xf32, #tpu.memory_space<hbm>> -> memref<71x128xf32, #tpu.memory_space<hbm>>
      %dma_wait3A_203 = arith.constant 0 : i32
      %dma_wait3A_204 = arith.constant 0 : i32
      %dma_wait3A_205 = tpu.memref_slice %arg6[%dma_wait3A_193, %dma_wait3A_194, %dma_wait3A_203, %dma_wait3A_204] : memref<2x4x71x128xf32, #tpu.memory_space<vmem>> -> memref<1x1x71x128xf32, #tpu.memory_space<vmem>>
      %dma_wait3A_206 = tpu.memref_squeeze %dma_wait3A_205 : memref<1x1x71x128xf32, #tpu.memory_space<vmem>> -> memref<71x128xf32, #tpu.memory_space<vmem>>
      %dma_wait3A_207 = arith.constant 0 : i32
      %dma_wait3A_208 = arith.constant 0 : i32
      %dma_wait3A_209 = tpu.memref_slice %arg4[%mul3A_2, %dma_wait3A_207, %dma_wait3A_208] : memref<4096x71x128xf32, #tpu.memory_space<hbm>> -> memref<1x71x128xf32, #tpu.memory_space<hbm>>
      %dma_wait3A_210 = tpu.memref_squeeze %dma_wait3A_209 : memref<1x71x128xf32, #tpu.memory_space<hbm>> -> memref<71x128xf32, #tpu.memory_space<hbm>>
      tpu.wait_dma2 semaphore(%arg7 : memref<!tpu.dma_semaphore, #tpu.memory_space<semaphore_mem>>) src(%dma_wait3A_210 : memref<71x128xf32, #tpu.memory_space<hbm>>) dst(%dma_wait3A_206 : memref<71x128xf32, #tpu.memory_space<vmem>>)
      %dma_wait3A_211 = arith.constant 0 : i32
      %dma_wait3A_212 = arith.constant 3 : i32
      %dma_wait3A_213 = arith.constant 0 : i32
      %dma_wait3A_214 = arith.constant 0 : i32
      %dma_wait3A_215 = tpu.memref_slice %arg6[%dma_wait3A_211, %dma_wait3A_212, %dma_wait3A_213, %dma_wait3A_214] : memref<2x4x71x128xf32, #tpu.memory_space<vmem>> -> memref<1x1x71x128xf32, #tpu.memory_space<vmem>>
      %dma_wait3A_216 = tpu.memref_squeeze %dma_wait3A_215 : memref<1x1x71x128xf32, #tpu.memory_space<vmem>> -> memref<71x128xf32, #tpu.memory_space<vmem>>
      %dma_wait3A_217 = arith.constant 0 : i32
      %dma_wait3A_218 = arith.constant 0 : i32
      %dma_wait3A_219 = tpu.memref_slice %arg4[%mul3A_2, %dma_wait3A_217, %dma_wait3A_218] : memref<4096x71x128xf32, #tpu.memory_space<hbm>> -> memref<1x71x128xf32, #tpu.memory_space<hbm>>
      %dma_wait3A_220 = tpu.memref_squeeze %dma_wait3A_219 : memref<1x71x128xf32, #tpu.memory_space<hbm>> -> memref<71x128xf32, #tpu.memory_space<hbm>>
      %dma_wait3A_221 = arith.constant 0 : i32
      %dma_wait3A_222 = arith.constant 0 : i32
      %dma_wait3A_223 = tpu.memref_slice %arg6[%dma_wait3A_211, %dma_wait3A_212, %dma_wait3A_221, %dma_wait3A_222] : memref<2x4x71x128xf32, #tpu.memory_space<vmem>> -> memref<1x1x71x128xf32, #tpu.memory_space<vmem>>
      %dma_wait3A_224 = tpu.memref_squeeze %dma_wait3A_223 : memref<1x1x71x128xf32, #tpu.memory_space<vmem>> -> memref<71x128xf32, #tpu.memory_space<vmem>>
      %dma_wait3A_225 = arith.constant 0 : i32
      %dma_wait3A_226 = arith.constant 0 : i32
      %dma_wait3A_227 = tpu.memref_slice %arg4[%mul3A_2, %dma_wait3A_225, %dma_wait3A_226] : memref<4096x71x128xf32, #tpu.memory_space<hbm>> -> memref<1x71x128xf32, #tpu.memory_space<hbm>>
      %dma_wait3A_228 = tpu.memref_squeeze %dma_wait3A_227 : memref<1x71x128xf32, #tpu.memory_space<hbm>> -> memref<71x128xf32, #tpu.memory_space<hbm>>
      tpu.wait_dma2 semaphore(%arg7 : memref<!tpu.dma_semaphore, #tpu.memory_space<semaphore_mem>>) src(%dma_wait3A_228 : memref<71x128xf32, #tpu.memory_space<hbm>>) dst(%dma_wait3A_224 : memref<71x128xf32, #tpu.memory_space<vmem>>)
      %mul3A_229 = arith.constant 4 : i32
      %mul3A_230 = arith.muli %mul3A_88, %mul3A_229 : i32
      %add3A_231 = arith.addi %mul3A_2, %mul3A_230 : i32
      %dma_start3A_232 = arith.constant 0 : i32
      %dma_start3A_233 = arith.constant 0 : i32
      %dma_start3A_234 = arith.constant 0 : i32
      %dma_start3A_235 = arith.constant 0 : i32
      %dma_start3A_236 = tpu.memref_slice %arg6[%dma_start3A_232, %dma_start3A_233, %dma_start3A_234, %dma_start3A_235] : memref<2x4x71x128xf32, #tpu.memory_space<vmem>> -> memref<1x4x71x128xf32, #tpu.memory_space<vmem>>
      %dma_start3A_237 = tpu.memref_squeeze %dma_start3A_236 : memref<1x4x71x128xf32, #tpu.memory_space<vmem>> -> memref<4x71x128xf32, #tpu.memory_space<vmem>>
      %dma_start3A_238 = arith.constant 0 : i32
      %dma_start3A_239 = arith.constant 0 : i32
      %dma_start3A_240 = tpu.memref_slice %arg4[%add3A_231, %dma_start3A_238, %dma_start3A_239] : memref<4096x71x128xf32, #tpu.memory_space<hbm>> -> memref<4x71x128xf32, #tpu.memory_space<hbm>>
      %dma_start3A_241 = arith.constant 0 : i32
      %dma_start3A_242 = arith.constant 0 : i32
      %dma_start3A_243 = tpu.memref_slice %arg4[%add3A_231, %dma_start3A_241, %dma_start3A_242] : memref<4096x71x128xf32, #tpu.memory_space<hbm>> -> memref<4x71x128xf32, #tpu.memory_space<hbm>>
      %dma_start3A_244 = arith.constant 0 : i32
      %dma_start3A_245 = arith.constant 0 : i32
      %dma_start3A_246 = arith.constant 0 : i32
      %dma_start3A_247 = tpu.memref_slice %arg6[%dma_start3A_232, %dma_start3A_244, %dma_start3A_245, %dma_start3A_246] : memref<2x4x71x128xf32, #tpu.memory_space<vmem>> -> memref<1x4x71x128xf32, #tpu.memory_space<vmem>>
      %dma_start3A_248 = tpu.memref_squeeze %dma_start3A_247 : memref<1x4x71x128xf32, #tpu.memory_space<vmem>> -> memref<4x71x128xf32, #tpu.memory_space<vmem>>
      tpu.enqueue_dma source(%dma_start3A_248 : memref<4x71x128xf32, #tpu.memory_space<vmem>>) target(%dma_start3A_243 : memref<4x71x128xf32, #tpu.memory_space<hbm>>) target_semaphore(%arg9 : memref<!tpu.dma_semaphore, #tpu.memory_space<semaphore_mem>>)
      %dma_wait3A_249 = arith.constant 1 : i32
      %dma_wait3A_250 = arith.constant 0 : i32
      %dma_wait3A_251 = arith.constant 0 : i32
      %dma_wait3A_252 = arith.constant 0 : i32
      %dma_wait3A_253 = tpu.memref_slice %arg6[%dma_wait3A_249, %dma_wait3A_250, %dma_wait3A_251, %dma_wait3A_252] : memref<2x4x71x128xf32, #tpu.memory_space<vmem>> -> memref<1x1x71x128xf32, #tpu.memory_space<vmem>>
      %dma_wait3A_254 = tpu.memref_squeeze %dma_wait3A_253 : memref<1x1x71x128xf32, #tpu.memory_space<vmem>> -> memref<71x128xf32, #tpu.memory_space<vmem>>
      %dma_wait3A_255 = arith.constant 0 : i32
      %dma_wait3A_256 = arith.constant 0 : i32
      %dma_wait3A_257 = tpu.memref_slice %arg4[%mul3A_2, %dma_wait3A_255, %dma_wait3A_256] : memref<4096x71x128xf32, #tpu.memory_space<hbm>> -> memref<1x71x128xf32, #tpu.memory_space<hbm>>
      %dma_wait3A_258 = tpu.memref_squeeze %dma_wait3A_257 : memref<1x71x128xf32, #tpu.memory_space<hbm>> -> memref<71x128xf32, #tpu.memory_space<hbm>>
      %dma_wait3A_259 = arith.constant 0 : i32
      %dma_wait3A_260 = arith.constant 0 : i32
      %dma_wait3A_261 = tpu.memref_slice %arg6[%dma_wait3A_249, %dma_wait3A_250, %dma_wait3A_259, %dma_wait3A_260] : memref<2x4x71x128xf32, #tpu.memory_space<vmem>> -> memref<1x1x71x128xf32, #tpu.memory_space<vmem>>
      %dma_wait3A_262 = tpu.memref_squeeze %dma_wait3A_261 : memref<1x1x71x128xf32, #tpu.memory_space<vmem>> -> memref<71x128xf32, #tpu.memory_space<vmem>>
      %dma_wait3A_263 = arith.constant 0 : i32
      %dma_wait3A_264 = arith.constant 0 : i32
      %dma_wait3A_265 = tpu.memref_slice %arg4[%mul3A_2, %dma_wait3A_263, %dma_wait3A_264] : memref<4096x71x128xf32, #tpu.memory_space<hbm>> -> memref<1x71x128xf32, #tpu.memory_space<hbm>>
      %dma_wait3A_266 = tpu.memref_squeeze %dma_wait3A_265 : memref<1x71x128xf32, #tpu.memory_space<hbm>> -> memref<71x128xf32, #tpu.memory_space<hbm>>
      tpu.wait_dma2 semaphore(%arg8 : memref<!tpu.dma_semaphore, #tpu.memory_space<semaphore_mem>>) src(%dma_wait3A_266 : memref<71x128xf32, #tpu.memory_space<hbm>>) dst(%dma_wait3A_262 : memref<71x128xf32, #tpu.memory_space<vmem>>)
      %dma_wait3A_267 = arith.constant 1 : i32
      %dma_wait3A_268 = arith.constant 1 : i32
      %dma_wait3A_269 = arith.constant 0 : i32
      %dma_wait3A_270 = arith.constant 0 : i32
      %dma_wait3A_271 = tpu.memref_slice %arg6[%dma_wait3A_267, %dma_wait3A_268, %dma_wait3A_269, %dma_wait3A_270] : memref<2x4x71x128xf32, #tpu.memory_space<vmem>> -> memref<1x1x71x128xf32, #tpu.memory_space<vmem>>
      %dma_wait3A_272 = tpu.memref_squeeze %dma_wait3A_271 : memref<1x1x71x128xf32, #tpu.memory_space<vmem>> -> memref<71x128xf32, #tpu.memory_space<vmem>>
      %dma_wait3A_273 = arith.constant 0 : i32
      %dma_wait3A_274 = arith.constant 0 : i32
      %dma_wait3A_275 = tpu.memref_slice %arg4[%mul3A_2, %dma_wait3A_273, %dma_wait3A_274] : memref<4096x71x128xf32, #tpu.memory_space<hbm>> -> memref<1x71x128xf32, #tpu.memory_space<hbm>>
      %dma_wait3A_276 = tpu.memref_squeeze %dma_wait3A_275 : memref<1x71x128xf32, #tpu.memory_space<hbm>> -> memref<71x128xf32, #tpu.memory_space<hbm>>
      %dma_wait3A_277 = arith.constant 0 : i32
      %dma_wait3A_278 = arith.constant 0 : i32
      %dma_wait3A_279 = tpu.memref_slice %arg6[%dma_wait3A_267, %dma_wait3A_268, %dma_wait3A_277, %dma_wait3A_278] : memref<2x4x71x128xf32, #tpu.memory_space<vmem>> -> memref<1x1x71x128xf32, #tpu.memory_space<vmem>>
      %dma_wait3A_280 = tpu.memref_squeeze %dma_wait3A_279 : memref<1x1x71x128xf32, #tpu.memory_space<vmem>> -> memref<71x128xf32, #tpu.memory_space<vmem>>
      %dma_wait3A_281 = arith.constant 0 : i32
      %dma_wait3A_282 = arith.constant 0 : i32
      %dma_wait3A_283 = tpu.memref_slice %arg4[%mul3A_2, %dma_wait3A_281, %dma_wait3A_282] : memref<4096x71x128xf32, #tpu.memory_space<hbm>> -> memref<1x71x128xf32, #tpu.memory_space<hbm>>
      %dma_wait3A_284 = tpu.memref_squeeze %dma_wait3A_283 : memref<1x71x128xf32, #tpu.memory_space<hbm>> -> memref<71x128xf32, #tpu.memory_space<hbm>>
      tpu.wait_dma2 semaphore(%arg8 : memref<!tpu.dma_semaphore, #tpu.memory_space<semaphore_mem>>) src(%dma_wait3A_284 : memref<71x128xf32, #tpu.memory_space<hbm>>) dst(%dma_wait3A_280 : memref<71x128xf32, #tpu.memory_space<vmem>>)
      %dma_wait3A_285 = arith.constant 1 : i32
      %dma_wait3A_286 = arith.constant 2 : i32
      %dma_wait3A_287 = arith.constant 0 : i32
      %dma_wait3A_288 = arith.constant 0 : i32
      %dma_wait3A_289 = tpu.memref_slice %arg6[%dma_wait3A_285, %dma_wait3A_286, %dma_wait3A_287, %dma_wait3A_288] : memref<2x4x71x128xf32, #tpu.memory_space<vmem>> -> memref<1x1x71x128xf32, #tpu.memory_space<vmem>>
      %dma_wait3A_290 = tpu.memref_squeeze %dma_wait3A_289 : memref<1x1x71x128xf32, #tpu.memory_space<vmem>> -> memref<71x128xf32, #tpu.memory_space<vmem>>
      %dma_wait3A_291 = arith.constant 0 : i32
      %dma_wait3A_292 = arith.constant 0 : i32
      %dma_wait3A_293 = tpu.memref_slice %arg4[%mul3A_2, %dma_wait3A_291, %dma_wait3A_292] : memref<4096x71x128xf32, #tpu.memory_space<hbm>> -> memref<1x71x128xf32, #tpu.memory_space<hbm>>
      %dma_wait3A_294 = tpu.memref_squeeze %dma_wait3A_293 : memref<1x71x128xf32, #tpu.memory_space<hbm>> -> memref<71x128xf32, #tpu.memory_space<hbm>>
      %dma_wait3A_295 = arith.constant 0 : i32
      %dma_wait3A_296 = arith.constant 0 : i32
      %dma_wait3A_297 = tpu.memref_slice %arg6[%dma_wait3A_285, %dma_wait3A_286, %dma_wait3A_295, %dma_wait3A_296] : memref<2x4x71x128xf32, #tpu.memory_space<vmem>> -> memref<1x1x71x128xf32, #tpu.memory_space<vmem>>
      %dma_wait3A_298 = tpu.memref_squeeze %dma_wait3A_297 : memref<1x1x71x128xf32, #tpu.memory_space<vmem>> -> memref<71x128xf32, #tpu.memory_space<vmem>>
      %dma_wait3A_299 = arith.constant 0 : i32
      %dma_wait3A_300 = arith.constant 0 : i32
      %dma_wait3A_301 = tpu.memref_slice %arg4[%mul3A_2, %dma_wait3A_299, %dma_wait3A_300] : memref<4096x71x128xf32, #tpu.memory_space<hbm>> -> memref<1x71x128xf32, #tpu.memory_space<hbm>>
      %dma_wait3A_302 = tpu.memref_squeeze %dma_wait3A_301 : memref<1x71x128xf32, #tpu.memory_space<hbm>> -> memref<71x128xf32, #tpu.memory_space<hbm>>
      tpu.wait_dma2 semaphore(%arg8 : memref<!tpu.dma_semaphore, #tpu.memory_space<semaphore_mem>>) src(%dma_wait3A_302 : memref<71x128xf32, #tpu.memory_space<hbm>>) dst(%dma_wait3A_298 : memref<71x128xf32, #tpu.memory_space<vmem>>)
      %dma_wait3A_303 = arith.constant 1 : i32
      %dma_wait3A_304 = arith.constant 3 : i32
      %dma_wait3A_305 = arith.constant 0 : i32
      %dma_wait3A_306 = arith.constant 0 : i32
      %dma_wait3A_307 = tpu.memref_slice %arg6[%dma_wait3A_303, %dma_wait3A_304, %dma_wait3A_305, %dma_wait3A_306] : memref<2x4x71x128xf32, #tpu.memory_space<vmem>> -> memref<1x1x71x128xf32, #tpu.memory_space<vmem>>
      %dma_wait3A_308 = tpu.memref_squeeze %dma_wait3A_307 : memref<1x1x71x128xf32, #tpu.memory_space<vmem>> -> memref<71x128xf32, #tpu.memory_space<vmem>>
      %dma_wait3A_309 = arith.constant 0 : i32
      %dma_wait3A_310 = arith.constant 0 : i32
      %dma_wait3A_311 = tpu.memref_slice %arg4[%mul3A_2, %dma_wait3A_309, %dma_wait3A_310] : memref<4096x71x128xf32, #tpu.memory_space<hbm>> -> memref<1x71x128xf32, #tpu.memory_space<hbm>>
      %dma_wait3A_312 = tpu.memref_squeeze %dma_wait3A_311 : memref<1x71x128xf32, #tpu.memory_space<hbm>> -> memref<71x128xf32, #tpu.memory_space<hbm>>
      %dma_wait3A_313 = arith.constant 0 : i32
      %dma_wait3A_314 = arith.constant 0 : i32
      %dma_wait3A_315 = tpu.memref_slice %arg6[%dma_wait3A_303, %dma_wait3A_304, %dma_wait3A_313, %dma_wait3A_314] : memref<2x4x71x128xf32, #tpu.memory_space<vmem>> -> memref<1x1x71x128xf32, #tpu.memory_space<vmem>>
      %dma_wait3A_316 = tpu.memref_squeeze %dma_wait3A_315 : memref<1x1x71x128xf32, #tpu.memory_space<vmem>> -> memref<71x128xf32, #tpu.memory_space<vmem>>
      %dma_wait3A_317 = arith.constant 0 : i32
      %dma_wait3A_318 = arith.constant 0 : i32
      %dma_wait3A_319 = tpu.memref_slice %arg4[%mul3A_2, %dma_wait3A_317, %dma_wait3A_318] : memref<4096x71x128xf32, #tpu.memory_space<hbm>> -> memref<1x71x128xf32, #tpu.memory_space<hbm>>
      %dma_wait3A_320 = tpu.memref_squeeze %dma_wait3A_319 : memref<1x71x128xf32, #tpu.memory_space<hbm>> -> memref<71x128xf32, #tpu.memory_space<hbm>>
      tpu.wait_dma2 semaphore(%arg8 : memref<!tpu.dma_semaphore, #tpu.memory_space<semaphore_mem>>) src(%dma_wait3A_320 : memref<71x128xf32, #tpu.memory_space<hbm>>) dst(%dma_wait3A_316 : memref<71x128xf32, #tpu.memory_space<vmem>>)
      %add3A_321 = arith.constant 1 : i32
      %add3A_322 = arith.addi %mul3A_88, %add3A_321 : i32
      %mul3A_323 = arith.constant 4 : i32
      %mul3A_324 = arith.muli %add3A_322, %mul3A_323 : i32
      %add3A_325 = arith.addi %mul3A_2, %mul3A_324 : i32
      %dma_start3A_326 = arith.constant 1 : i32
      %dma_start3A_327 = arith.constant 0 : i32
      %dma_start3A_328 = arith.constant 0 : i32
      %dma_start3A_329 = arith.constant 0 : i32
      %dma_start3A_330 = tpu.memref_slice %arg6[%dma_start3A_326, %dma_start3A_327, %dma_start3A_328, %dma_start3A_329] : memref<2x4x71x128xf32, #tpu.memory_space<vmem>> -> memref<1x4x71x128xf32, #tpu.memory_space<vmem>>
      %dma_start3A_331 = tpu.memref_squeeze %dma_start3A_330 : memref<1x4x71x128xf32, #tpu.memory_space<vmem>> -> memref<4x71x128xf32, #tpu.memory_space<vmem>>
      %dma_start3A_332 = arith.constant 0 : i32
      %dma_start3A_333 = arith.constant 0 : i32
      %dma_start3A_334 = tpu.memref_slice %arg4[%add3A_325, %dma_start3A_332, %dma_start3A_333] : memref<4096x71x128xf32, #tpu.memory_space<hbm>> -> memref<4x71x128xf32, #tpu.memory_space<hbm>>
      %dma_start3A_335 = arith.constant 0 : i32
      %dma_start3A_336 = arith.constant 0 : i32
      %dma_start3A_337 = tpu.memref_slice %arg4[%add3A_325, %dma_start3A_335, %dma_start3A_336] : memref<4096x71x128xf32, #tpu.memory_space<hbm>> -> memref<4x71x128xf32, #tpu.memory_space<hbm>>
      %dma_start3A_338 = arith.constant 0 : i32
      %dma_start3A_339 = arith.constant 0 : i32
      %dma_start3A_340 = arith.constant 0 : i32
      %dma_start3A_341 = tpu.memref_slice %arg6[%dma_start3A_326, %dma_start3A_338, %dma_start3A_339, %dma_start3A_340] : memref<2x4x71x128xf32, #tpu.memory_space<vmem>> -> memref<1x4x71x128xf32, #tpu.memory_space<vmem>>
      %dma_start3A_342 = tpu.memref_squeeze %dma_start3A_341 : memref<1x4x71x128xf32, #tpu.memory_space<vmem>> -> memref<4x71x128xf32, #tpu.memory_space<vmem>>
      tpu.enqueue_dma source(%dma_start3A_342 : memref<4x71x128xf32, #tpu.memory_space<vmem>>) target(%dma_start3A_337 : memref<4x71x128xf32, #tpu.memory_space<hbm>>) target_semaphore(%arg10 : memref<!tpu.dma_semaphore, #tpu.memory_space<semaphore_mem>>)
      %lt3A = arith.constant 15 : i32
      %lt3A_343 = arith.cmpi slt, %scan3A_86, %lt3A : i32
      %convert_element_type3A_344 = arith.extui %lt3A_343 : i1 to i32
      %cond3A_345 = arith.constant 0 : i32
      %cond3A_346 = arith.cmpi ne, %convert_element_type3A_344, %cond3A_345 : i32
      scf.if %cond3A_346 {
        %dma_wait3A_347 = arith.constant 0 : i32
        %dma_wait3A_348 = arith.constant 0 : i32
        %dma_wait3A_349 = arith.constant 0 : i32
        %dma_wait3A_350 = arith.constant 0 : i32
        %dma_wait3A_351 = tpu.memref_slice %arg6[%dma_wait3A_347, %dma_wait3A_348, %dma_wait3A_349, %dma_wait3A_350] : memref<2x4x71x128xf32, #tpu.memory_space<vmem>> -> memref<1x4x71x128xf32, #tpu.memory_space<vmem>>
        %dma_wait3A_352 = tpu.memref_squeeze %dma_wait3A_351 : memref<1x4x71x128xf32, #tpu.memory_space<vmem>> -> memref<4x71x128xf32, #tpu.memory_space<vmem>>
        %dma_wait3A_353 = arith.constant 0 : i32
        %dma_wait3A_354 = arith.constant 0 : i32
        %dma_wait3A_355 = tpu.memref_slice %arg4[%mul3A_2, %dma_wait3A_353, %dma_wait3A_354] : memref<4096x71x128xf32, #tpu.memory_space<hbm>> -> memref<4x71x128xf32, #tpu.memory_space<hbm>>
        %dma_wait3A_356 = arith.constant 0 : i32
        %dma_wait3A_357 = arith.constant 0 : i32
        %dma_wait3A_358 = tpu.memref_slice %arg4[%mul3A_2, %dma_wait3A_356, %dma_wait3A_357] : memref<4096x71x128xf32, #tpu.memory_space<hbm>> -> memref<4x71x128xf32, #tpu.memory_space<hbm>>
        %dma_wait3A_359 = arith.constant 0 : i32
        %dma_wait3A_360 = arith.constant 0 : i32
        %dma_wait3A_361 = arith.constant 0 : i32
        %dma_wait3A_362 = tpu.memref_slice %arg6[%dma_wait3A_347, %dma_wait3A_359, %dma_wait3A_360, %dma_wait3A_361] : memref<2x4x71x128xf32, #tpu.memory_space<vmem>> -> memref<1x4x71x128xf32, #tpu.memory_space<vmem>>
        %dma_wait3A_363 = tpu.memref_squeeze %dma_wait3A_362 : memref<1x4x71x128xf32, #tpu.memory_space<vmem>> -> memref<4x71x128xf32, #tpu.memory_space<vmem>>
        tpu.wait_dma2 semaphore(%arg9 : memref<!tpu.dma_semaphore, #tpu.memory_space<semaphore_mem>>) src(%dma_wait3A_363 : memref<4x71x128xf32, #tpu.memory_space<vmem>>) dst(%dma_wait3A_358 : memref<4x71x128xf32, #tpu.memory_space<hbm>>)
        %add3A_364 = arith.constant 2 : i32
        %add3A_365 = arith.addi %mul3A_88, %add3A_364 : i32
        %mul3A_366 = arith.constant 4 : i32
        %mul3A_367 = arith.muli %add3A_365, %mul3A_366 : i32
        %add3A_368 = arith.constant 0 : i32
        %add3A_369 = arith.addi %mul3A_367, %add3A_368 : i32
        %mul3A_370 = arith.constant 72 : i32
        %mul3A_371 = arith.muli %add3A_369, %mul3A_370 : i32
        %dma_start3A_372 = arith.constant 0 : i32
        %dma_start3A_373 = arith.constant 0 : i32
        %dma_start3A_374 = arith.constant 0 : i32
        %dma_start3A_375 = arith.constant 0 : i32
        %dma_start3A_376 = tpu.memref_slice %arg6[%dma_start3A_372, %dma_start3A_373, %dma_start3A_374, %dma_start3A_375] : memref<2x4x71x128xf32, #tpu.memory_space<vmem>> -> memref<1x1x71x128xf32, #tpu.memory_space<vmem>>
        %dma_start3A_377 = tpu.memref_squeeze %dma_start3A_376 : memref<1x1x71x128xf32, #tpu.memory_space<vmem>> -> memref<71x128xf32, #tpu.memory_space<vmem>>
        %dma_start3A_378 = tpu.memref_slice %arg5[%mul3A_371] : memref<9216xi32, #tpu.memory_space<vmem>> -> memref<71xi32, #tpu.memory_space<vmem>>
        %dma_start3A_379 = arith.constant 0 : i32
        %dma_start3A_380 = arith.constant 0 : i32
        %dma_start3A_381 = tpu.memref_slice %arg2[%dma_start3A_379, %dma_start3A_380] : memref<41472x128xf32, #tpu.memory_space<hbm>> -> memref<41472x128xf32, #tpu.memory_space<hbm>>
        tpu.enqueue_indirect_dma source(%dma_start3A_381 : memref<41472x128xf32, #tpu.memory_space<hbm>>) target(%dma_start3A_377 : memref<71x128xf32, #tpu.memory_space<vmem>>) offsets(%dma_start3A_378 : memref<71xi32, #tpu.memory_space<vmem>>) semaphore(%arg7 : memref<!tpu.dma_semaphore, #tpu.memory_space<semaphore_mem>>)
        %mul3A_382 = arith.constant 4 : i32
        %mul3A_383 = arith.muli %add3A_365, %mul3A_382 : i32
        %add3A_384 = arith.constant 1 : i32
        %add3A_385 = arith.addi %mul3A_383, %add3A_384 : i32
        %mul3A_386 = arith.constant 72 : i32
        %mul3A_387 = arith.muli %add3A_385, %mul3A_386 : i32
        %dma_start3A_388 = arith.constant 0 : i32
        %dma_start3A_389 = arith.constant 1 : i32
        %dma_start3A_390 = arith.constant 0 : i32
        %dma_start3A_391 = arith.constant 0 : i32
        %dma_start3A_392 = tpu.memref_slice %arg6[%dma_start3A_388, %dma_start3A_389, %dma_start3A_390, %dma_start3A_391] : memref<2x4x71x128xf32, #tpu.memory_space<vmem>> -> memref<1x1x71x128xf32, #tpu.memory_space<vmem>>
        %dma_start3A_393 = tpu.memref_squeeze %dma_start3A_392 : memref<1x1x71x128xf32, #tpu.memory_space<vmem>> -> memref<71x128xf32, #tpu.memory_space<vmem>>
        %dma_start3A_394 = tpu.memref_slice %arg5[%mul3A_387] : memref<9216xi32, #tpu.memory_space<vmem>> -> memref<71xi32, #tpu.memory_space<vmem>>
        %dma_start3A_395 = arith.constant 0 : i32
        %dma_start3A_396 = arith.constant 0 : i32
        %dma_start3A_397 = tpu.memref_slice %arg2[%dma_start3A_395, %dma_start3A_396] : memref<41472x128xf32, #tpu.memory_space<hbm>> -> memref<41472x128xf32, #tpu.memory_space<hbm>>
        tpu.enqueue_indirect_dma source(%dma_start3A_397 : memref<41472x128xf32, #tpu.memory_space<hbm>>) target(%dma_start3A_393 : memref<71x128xf32, #tpu.memory_space<vmem>>) offsets(%dma_start3A_394 : memref<71xi32, #tpu.memory_space<vmem>>) semaphore(%arg7 : memref<!tpu.dma_semaphore, #tpu.memory_space<semaphore_mem>>)
        %mul3A_398 = arith.constant 4 : i32
        %mul3A_399 = arith.muli %add3A_365, %mul3A_398 : i32
        %add3A_400 = arith.constant 2 : i32
        %add3A_401 = arith.addi %mul3A_399, %add3A_400 : i32
        %mul3A_402 = arith.constant 72 : i32
        %mul3A_403 = arith.muli %add3A_401, %mul3A_402 : i32
        %dma_start3A_404 = arith.constant 0 : i32
        %dma_start3A_405 = arith.constant 2 : i32
        %dma_start3A_406 = arith.constant 0 : i32
        %dma_start3A_407 = arith.constant 0 : i32
        %dma_start3A_408 = tpu.memref_slice %arg6[%dma_start3A_404, %dma_start3A_405, %dma_start3A_406, %dma_start3A_407] : memref<2x4x71x128xf32, #tpu.memory_space<vmem>> -> memref<1x1x71x128xf32, #tpu.memory_space<vmem>>
        %dma_start3A_409 = tpu.memref_squeeze %dma_start3A_408 : memref<1x1x71x128xf32, #tpu.memory_space<vmem>> -> memref<71x128xf32, #tpu.memory_space<vmem>>
        %dma_start3A_410 = tpu.memref_slice %arg5[%mul3A_403] : memref<9216xi32, #tpu.memory_space<vmem>> -> memref<71xi32, #tpu.memory_space<vmem>>
        %dma_start3A_411 = arith.constant 0 : i32
        %dma_start3A_412 = arith.constant 0 : i32
        %dma_start3A_413 = tpu.memref_slice %arg2[%dma_start3A_411, %dma_start3A_412] : memref<41472x128xf32, #tpu.memory_space<hbm>> -> memref<41472x128xf32, #tpu.memory_space<hbm>>
        tpu.enqueue_indirect_dma source(%dma_start3A_413 : memref<41472x128xf32, #tpu.memory_space<hbm>>) target(%dma_start3A_409 : memref<71x128xf32, #tpu.memory_space<vmem>>) offsets(%dma_start3A_410 : memref<71xi32, #tpu.memory_space<vmem>>) semaphore(%arg7 : memref<!tpu.dma_semaphore, #tpu.memory_space<semaphore_mem>>)
        %mul3A_414 = arith.constant 4 : i32
        %mul3A_415 = arith.muli %add3A_365, %mul3A_414 : i32
        %add3A_416 = arith.constant 3 : i32
        %add3A_417 = arith.addi %mul3A_415, %add3A_416 : i32
        %mul3A_418 = arith.constant 72 : i32
        %mul3A_419 = arith.muli %add3A_417, %mul3A_418 : i32
        %dma_start3A_420 = arith.constant 0 : i32
        %dma_start3A_421 = arith.constant 3 : i32
        %dma_start3A_422 = arith.constant 0 : i32
        %dma_start3A_423 = arith.constant 0 : i32
        %dma_start3A_424 = tpu.memref_slice %arg6[%dma_start3A_420, %dma_start3A_421, %dma_start3A_422, %dma_start3A_423] : memref<2x4x71x128xf32, #tpu.memory_space<vmem>> -> memref<1x1x71x128xf32, #tpu.memory_space<vmem>>
        %dma_start3A_425 = tpu.memref_squeeze %dma_start3A_424 : memref<1x1x71x128xf32, #tpu.memory_space<vmem>> -> memref<71x128xf32, #tpu.memory_space<vmem>>
        %dma_start3A_426 = tpu.memref_slice %arg5[%mul3A_419] : memref<9216xi32, #tpu.memory_space<vmem>> -> memref<71xi32, #tpu.memory_space<vmem>>
        %dma_start3A_427 = arith.constant 0 : i32
        %dma_start3A_428 = arith.constant 0 : i32
        %dma_start3A_429 = tpu.memref_slice %arg2[%dma_start3A_427, %dma_start3A_428] : memref<41472x128xf32, #tpu.memory_space<hbm>> -> memref<41472x128xf32, #tpu.memory_space<hbm>>
        tpu.enqueue_indirect_dma source(%dma_start3A_429 : memref<41472x128xf32, #tpu.memory_space<hbm>>) target(%dma_start3A_425 : memref<71x128xf32, #tpu.memory_space<vmem>>) offsets(%dma_start3A_426 : memref<71xi32, #tpu.memory_space<vmem>>) semaphore(%arg7 : memref<!tpu.dma_semaphore, #tpu.memory_space<semaphore_mem>>)
      } else {
      }
    }
    %scan3A_52 = arith.constant 16 : i32
    %dma_wait3A = arith.constant 0 : i32
    %dma_wait3A_53 = arith.constant 0 : i32
    %dma_wait3A_54 = arith.constant 0 : i32
    %dma_wait3A_55 = arith.constant 0 : i32
    %dma_wait3A_56 = tpu.memref_slice %arg6[%dma_wait3A, %dma_wait3A_53, %dma_wait3A_54, %dma_wait3A_55] : memref<2x4x71x128xf32, #tpu.memory_space<vmem>> -> memref<1x4x71x128xf32, #tpu.memory_space<vmem>>
    %dma_wait3A_57 = tpu.memref_squeeze %dma_wait3A_56 : memref<1x4x71x128xf32, #tpu.memory_space<vmem>> -> memref<4x71x128xf32, #tpu.memory_space<vmem>>
    %dma_wait3A_58 = arith.constant 0 : i32
    %dma_wait3A_59 = arith.constant 0 : i32
    %dma_wait3A_60 = tpu.memref_slice %arg4[%mul3A_2, %dma_wait3A_58, %dma_wait3A_59] : memref<4096x71x128xf32, #tpu.memory_space<hbm>> -> memref<4x71x128xf32, #tpu.memory_space<hbm>>
    %dma_wait3A_61 = arith.constant 0 : i32
    %dma_wait3A_62 = arith.constant 0 : i32
    %dma_wait3A_63 = tpu.memref_slice %arg4[%mul3A_2, %dma_wait3A_61, %dma_wait3A_62] : memref<4096x71x128xf32, #tpu.memory_space<hbm>> -> memref<4x71x128xf32, #tpu.memory_space<hbm>>
    %dma_wait3A_64 = arith.constant 0 : i32
    %dma_wait3A_65 = arith.constant 0 : i32
    %dma_wait3A_66 = arith.constant 0 : i32
    %dma_wait3A_67 = tpu.memref_slice %arg6[%dma_wait3A, %dma_wait3A_64, %dma_wait3A_65, %dma_wait3A_66] : memref<2x4x71x128xf32, #tpu.memory_space<vmem>> -> memref<1x4x71x128xf32, #tpu.memory_space<vmem>>
    %dma_wait3A_68 = tpu.memref_squeeze %dma_wait3A_67 : memref<1x4x71x128xf32, #tpu.memory_space<vmem>> -> memref<4x71x128xf32, #tpu.memory_space<vmem>>
    tpu.wait_dma2 semaphore(%arg9 : memref<!tpu.dma_semaphore, #tpu.memory_space<semaphore_mem>>) src(%dma_wait3A_68 : memref<4x71x128xf32, #tpu.memory_space<vmem>>) dst(%dma_wait3A_63 : memref<4x71x128xf32, #tpu.memory_space<hbm>>)
    %dma_wait3A_69 = arith.constant 1 : i32
    %dma_wait3A_70 = arith.constant 0 : i32
    %dma_wait3A_71 = arith.constant 0 : i32
    %dma_wait3A_72 = arith.constant 0 : i32
    %dma_wait3A_73 = tpu.memref_slice %arg6[%dma_wait3A_69, %dma_wait3A_70, %dma_wait3A_71, %dma_wait3A_72] : memref<2x4x71x128xf32, #tpu.memory_space<vmem>> -> memref<1x4x71x128xf32, #tpu.memory_space<vmem>>
    %dma_wait3A_74 = tpu.memref_squeeze %dma_wait3A_73 : memref<1x4x71x128xf32, #tpu.memory_space<vmem>> -> memref<4x71x128xf32, #tpu.memory_space<vmem>>
    %dma_wait3A_75 = arith.constant 0 : i32
    %dma_wait3A_76 = arith.constant 0 : i32
    %dma_wait3A_77 = tpu.memref_slice %arg4[%mul3A_2, %dma_wait3A_75, %dma_wait3A_76] : memref<4096x71x128xf32, #tpu.memory_space<hbm>> -> memref<4x71x128xf32, #tpu.memory_space<hbm>>
    %dma_wait3A_78 = arith.constant 0 : i32
    %dma_wait3A_79 = arith.constant 0 : i32
    %dma_wait3A_80 = tpu.memref_slice %arg4[%mul3A_2, %dma_wait3A_78, %dma_wait3A_79] : memref<4096x71x128xf32, #tpu.memory_space<hbm>> -> memref<4x71x128xf32, #tpu.memory_space<hbm>>
    %dma_wait3A_81 = arith.constant 0 : i32
    %dma_wait3A_82 = arith.constant 0 : i32
    %dma_wait3A_83 = arith.constant 0 : i32
    %dma_wait3A_84 = tpu.memref_slice %arg6[%dma_wait3A_69, %dma_wait3A_81, %dma_wait3A_82, %dma_wait3A_83] : memref<2x4x71x128xf32, #tpu.memory_space<vmem>> -> memref<1x4x71x128xf32, #tpu.memory_space<vmem>>
    %dma_wait3A_85 = tpu.memref_squeeze %dma_wait3A_84 : memref<1x4x71x128xf32, #tpu.memory_space<vmem>> -> memref<4x71x128xf32, #tpu.memory_space<vmem>>
    tpu.wait_dma2 semaphore(%arg10 : memref<!tpu.dma_semaphore, #tpu.memory_space<semaphore_mem>>) src(%dma_wait3A_85 : memref<4x71x128xf32, #tpu.memory_space<vmem>>) dst(%dma_wait3A_80 : memref<4x71x128xf32, #tpu.memory_space<hbm>>)
    return
  }
}

module attributes {stable_mosaic.version = 14 : i64} {
  func.func @_table_body(%arg0: i32, %arg1: memref<7x128xf32, #tpu.memory_space<vmem>>, %arg2: memref<2x128x128xf32, #tpu.memory_space<vmem>>, %arg3: memref<2x128xf32, #tpu.memory_space<vmem>>, %arg4: memref<8x1x128xf32, #tpu.memory_space<vmem>>, %arg5: memref<2x128xf32, #tpu.memory_space<vmem>>, %arg6: memref<2x128xf32, #tpu.memory_space<vmem>>, %arg7: memref<2x128xf32, #tpu.memory_space<vmem>>, %arg8: memref<2x128xf32, #tpu.memory_space<vmem>>, %arg9: memref<2x128xf32, #tpu.memory_space<vmem>>, %arg10: memref<2x128xf32, #tpu.memory_space<vmem>>, %arg11: memref<16x128xf32, #tpu.memory_space<vmem>>, %arg12: memref<9x128xf32, #tpu.memory_space<vmem>>, %arg13: memref<3x128xf32, #tpu.memory_space<vmem>>, %arg14: memref<2x128xf32, #tpu.memory_space<vmem>>, %arg15: memref<100x128xf32, #tpu.memory_space<vmem>>, %arg16: memref<8x1x64xf32, #tpu.memory_space<vmem>>, %arg17: memref<1x128xf32, #tpu.memory_space<vmem>>, %arg18: memref<1x128xf32, #tpu.memory_space<vmem>>, %arg19: memref<1x128xf32, #tpu.memory_space<vmem>>, %arg20: memref<1x128xf32, #tpu.memory_space<vmem>>, %arg21: memref<5184x128xf32, #tpu.memory_space<vmem>>, %arg22: memref<448x128xf32, #tpu.memory_space<vmem>>, %arg23: memref<132x128xf32, #tpu.memory_space<vmem>>) attributes {dimension_semantics = [#tpu.dimension_semantics<arbitrary>], iteration_bounds = array<i64: 8>, scalar_prefetch = 0 : i64, scratch_operands = 2 : i64, tpu.core_type = #tpu.core_type<tc>, window_params = [{pipeline_mode = #tpu.pipeline_mode<synchronous>, transform_indices = @transform_0, window_bounds = array<i64: 7, 128>}, {pipeline_mode = #tpu.pipeline_mode<synchronous>, transform_indices = @transform_1, window_bounds = array<i64: 2, 128, 128>}, {pipeline_mode = #tpu.pipeline_mode<synchronous>, transform_indices = @transform_2, window_bounds = array<i64: 2, 128>}, {transform_indices = @transform_3, window_bounds = array<i64: 8, 1, 128>}, {pipeline_mode = #tpu.pipeline_mode<synchronous>, transform_indices = @transform_4, window_bounds = array<i64: 2, 128>}, {pipeline_mode = #tpu.pipeline_mode<synchronous>, transform_indices = @transform_5, window_bounds = array<i64: 2, 128>}, {pipeline_mode = #tpu.pipeline_mode<synchronous>, transform_indices = @transform_6, window_bounds = array<i64: 2, 128>}, {pipeline_mode = #tpu.pipeline_mode<synchronous>, transform_indices = @transform_7, window_bounds = array<i64: 2, 128>}, {pipeline_mode = #tpu.pipeline_mode<synchronous>, transform_indices = @transform_8, window_bounds = array<i64: 2, 128>}, {pipeline_mode = #tpu.pipeline_mode<synchronous>, transform_indices = @transform_9, window_bounds = array<i64: 2, 128>}, {pipeline_mode = #tpu.pipeline_mode<synchronous>, transform_indices = @transform_10, window_bounds = array<i64: 16, 128>}, {pipeline_mode = #tpu.pipeline_mode<synchronous>, transform_indices = @transform_11, window_bounds = array<i64: 9, 128>}, {pipeline_mode = #tpu.pipeline_mode<synchronous>, transform_indices = @transform_12, window_bounds = array<i64: 3, 128>}, {pipeline_mode = #tpu.pipeline_mode<synchronous>, transform_indices = @transform_13, window_bounds = array<i64: 2, 128>}, {pipeline_mode = #tpu.pipeline_mode<synchronous>, transform_indices = @transform_14, window_bounds = array<i64: 100, 128>}, {transform_indices = @transform_15, window_bounds = array<i64: 8, 1, 64>}, {pipeline_mode = #tpu.pipeline_mode<synchronous>, transform_indices = @transform_16, window_bounds = array<i64: 1, 128>}, {pipeline_mode = #tpu.pipeline_mode<synchronous>, transform_indices = @transform_17, window_bounds = array<i64: 1, 128>}, {pipeline_mode = #tpu.pipeline_mode<synchronous>, transform_indices = @transform_18, window_bounds = array<i64: 1, 128>}, {pipeline_mode = #tpu.pipeline_mode<synchronous>, transform_indices = @transform_19, window_bounds = array<i64: 1, 128>}, {transform_indices = @transform_20, window_bounds = array<i64: 5184, 128>}]} {
    %get3A = arith.constant 0 : index
    %get3A_0 = arith.constant 0 : index
    %get3A_1 = vector.load %arg19[%get3A, %get3A_0] : memref<1x128xf32, #tpu.memory_space<vmem>>, vector<1x128xf32>
    %get3A_2 = arith.constant 0 : index
    %get3A_3 = arith.constant 0 : index
    %get3A_4 = vector.load %arg20[%get3A_2, %get3A_3] : memref<1x128xf32, #tpu.memory_space<vmem>>, vector<1x128xf32>
    %eq3A = arith.constant 0 : i32
    %eq3A_5 = arith.cmpi eq, %arg0, %eq3A : i32
    %convert_element_type3A = arith.extui %eq3A_5 : i1 to i32
    %cond3A = arith.constant 0 : i32
    %cond3A_6 = arith.cmpi ne, %convert_element_type3A, %cond3A : i32
    scf.if %cond3A_6 {
      %get3A_734 = arith.constant 0 : index
      %get3A_735 = arith.constant 0 : index
      %get3A_736 = vector.load %arg1[%get3A_734, %get3A_735] : memref<7x128xf32, #tpu.memory_space<vmem>>, vector<7x128xf32>
      %get3A_737 = arith.constant 0 : index
      %get3A_738 = arith.constant 0 : index
      %get3A_739 = vector.load %arg3[%get3A_737, %get3A_738] : memref<2x128xf32, #tpu.memory_space<vmem>>, vector<2x128xf32>
      %get3A_740 = arith.constant 0 : index
      %get3A_741 = arith.constant 0 : index
      %get3A_742 = arith.constant 0 : index
      %get3A_743 = vector.load %arg2[%get3A_740, %get3A_741, %get3A_742] : memref<2x128x128xf32, #tpu.memory_space<vmem>>, vector<1x128x128xf32>
      %get3A_744 = vector.shape_cast %get3A_743 : vector<1x128x128xf32> to vector<128x128xf32>
      %dot_general3A_745 = arith.constant dense<0.000000e+00> : vector<7x128xf32>
      %dot_general3A_746 = tpu.matmul %get3A_736, %get3A_744, %dot_general3A_745 {dimension_numbers = #tpu.dot_dimension_numbers<[1], [0], [0], [1], [0, 0, 1, 1], [], []>, transpose_lhs_hint = false} : vector<7x128xf32>, vector<128x128xf32>, vector<7x128xf32> -> vector<7x128xf32>
      %slice3A = vector.extract_strided_slice %get3A_739 {offsets = [0, 0], sizes = [1, 128], strides = [1, 1]} : vector<2x128xf32> to vector<1x128xf32>
      %add3A_747 = vector.broadcast %slice3A : vector<1x128xf32> to vector<7x128xf32>
      %add3A_748 = arith.addf %dot_general3A_746, %add3A_747 : vector<7x128xf32>
      %get3A_749 = arith.constant 1 : index
      %get3A_750 = arith.constant 0 : index
      %get3A_751 = arith.constant 0 : index
      %get3A_752 = vector.load %arg2[%get3A_749, %get3A_750, %get3A_751] : memref<2x128x128xf32, #tpu.memory_space<vmem>>, vector<1x128x128xf32>
      %get3A_753 = vector.shape_cast %get3A_752 : vector<1x128x128xf32> to vector<128x128xf32>
      %dot_general3A_754 = arith.constant dense<0.000000e+00> : vector<7x128xf32>
      %dot_general3A_755 = tpu.matmul %get3A_736, %get3A_753, %dot_general3A_754 {dimension_numbers = #tpu.dot_dimension_numbers<[1], [0], [0], [1], [0, 0, 1, 1], [], []>, transpose_lhs_hint = false} : vector<7x128xf32>, vector<128x128xf32>, vector<7x128xf32> -> vector<7x128xf32>
      %slice3A_756 = vector.extract_strided_slice %get3A_739 {offsets = [1, 0], sizes = [1, 128], strides = [1, 1]} : vector<2x128xf32> to vector<1x128xf32>
      %add3A_757 = vector.broadcast %slice3A_756 : vector<1x128xf32> to vector<7x128xf32>
      %add3A_758 = arith.addf %dot_general3A_755, %add3A_757 : vector<7x128xf32>
      %broadcast_in_dim3A_759 = vector.shape_cast %add3A_748 : vector<7x128xf32> to vector<7x1x128xf32>
      %broadcast_in_dim3A_760 = vector.shape_cast %add3A_758 : vector<7x128xf32> to vector<7x1x128xf32>
      %concatenate3A = tpu.concatenate %broadcast_in_dim3A_759, %broadcast_in_dim3A_760 in 1 : vector<7x1x128xf32>, vector<7x1x128xf32> -> vector<7x2x128xf32>
      %reshape3A = vector.shape_cast %concatenate3A : vector<7x2x128xf32> to vector<14x1x128xf32>
      %get3A_761 = arith.constant 0 : index
      %get3A_762 = arith.constant 0 : index
      %get3A_763 = vector.load %arg5[%get3A_761, %get3A_762] : memref<2x128xf32, #tpu.memory_space<vmem>>, vector<2x128xf32>
      %get3A_764 = arith.constant 0 : index
      %get3A_765 = arith.constant 0 : index
      %get3A_766 = vector.load %arg6[%get3A_764, %get3A_765] : memref<2x128xf32, #tpu.memory_space<vmem>>, vector<2x128xf32>
      %get3A_767 = arith.constant 0 : index
      %get3A_768 = arith.constant 0 : index
      %get3A_769 = vector.load %arg7[%get3A_767, %get3A_768] : memref<2x128xf32, #tpu.memory_space<vmem>>, vector<2x128xf32>
      %get3A_770 = arith.constant 0 : index
      %get3A_771 = arith.constant 0 : index
      %get3A_772 = vector.load %arg8[%get3A_770, %get3A_771] : memref<2x128xf32, #tpu.memory_space<vmem>>, vector<2x128xf32>
      %get3A_773 = arith.constant 0 : index
      %get3A_774 = arith.constant 0 : index
      %get3A_775 = vector.load %arg9[%get3A_773, %get3A_774] : memref<2x128xf32, #tpu.memory_space<vmem>>, vector<2x128xf32>
      %iota3A = tpu.iota {dimensions = array<i32: 0>} : vector<32x1xi32>
      %slice3A_776 = vector.extract_strided_slice %get3A_763 {offsets = [0, 0], sizes = [1, 128], strides = [1, 1]} : vector<2x128xf32> to vector<1x128xf32>
      %slice3A_777 = vector.extract_strided_slice %get3A_766 {offsets = [0, 0], sizes = [1, 128], strides = [1, 1]} : vector<2x128xf32> to vector<1x128xf32>
      %add3A_778 = arith.addf %slice3A_776, %slice3A_777 : vector<1x128xf32>
      %slice3A_779 = vector.extract_strided_slice %get3A_769 {offsets = [0, 0], sizes = [1, 128], strides = [1, 1]} : vector<2x128xf32> to vector<1x128xf32>
      %add3A_780 = arith.addf %add3A_778, %slice3A_779 : vector<1x128xf32>
      %slice3A_781 = vector.extract_strided_slice %get3A_772 {offsets = [0, 0], sizes = [1, 128], strides = [1, 1]} : vector<2x128xf32> to vector<1x128xf32>
      %add3A_782 = arith.addf %add3A_780, %slice3A_781 : vector<1x128xf32>
      %slice3A_783 = vector.extract_strided_slice %get3A_775 {offsets = [0, 0], sizes = [1, 128], strides = [1, 1]} : vector<2x128xf32> to vector<1x128xf32>
      %add3A_784 = arith.addf %add3A_782, %slice3A_783 : vector<1x128xf32>
      %shift_right_arithmetic3A = arith.constant 4 : i32
      %shift_right_arithmetic3A_785 = vector.broadcast %shift_right_arithmetic3A : i32 to vector<32x1xi32>
      %shift_right_arithmetic3A_786 = arith.shrsi %iota3A, %shift_right_arithmetic3A_785 : vector<32x1xi32>
      %and3A = arith.constant 1 : i32
      %and3A_787 = vector.broadcast %and3A : i32 to vector<32x1xi32>
      %and3A_788 = arith.andi %shift_right_arithmetic3A_786, %and3A_787 : vector<32x1xi32>
      %convert_element_type3A_789 = arith.sitofp %and3A_788 : vector<32x1xi32> to vector<32x1xf32>
      %slice3A_790 = vector.extract_strided_slice %get3A_763 {offsets = [1, 0], sizes = [1, 128], strides = [1, 1]} : vector<2x128xf32> to vector<1x128xf32>
      %slice3A_791 = vector.extract_strided_slice %get3A_763 {offsets = [0, 0], sizes = [1, 128], strides = [1, 1]} : vector<2x128xf32> to vector<1x128xf32>
      %sub3A_792 = arith.subf %slice3A_790, %slice3A_791 : vector<1x128xf32>
      %mul3A_793 = vector.broadcast %convert_element_type3A_789 : vector<32x1xf32> to vector<32x128xf32>
      %mul3A_794 = vector.broadcast %sub3A_792 : vector<1x128xf32> to vector<32x128xf32>
      %mul3A_795 = arith.mulf %mul3A_793, %mul3A_794 : vector<32x128xf32>
      %add3A_796 = vector.broadcast %add3A_784 : vector<1x128xf32> to vector<32x128xf32>
      %add3A_797 = arith.addf %add3A_796, %mul3A_795 : vector<32x128xf32>
      %shift_right_arithmetic3A_798 = arith.constant 3 : i32
      %shift_right_arithmetic3A_799 = vector.broadcast %shift_right_arithmetic3A_798 : i32 to vector<32x1xi32>
      %shift_right_arithmetic3A_800 = arith.shrsi %iota3A, %shift_right_arithmetic3A_799 : vector<32x1xi32>
      %and3A_801 = arith.constant 1 : i32
      %and3A_802 = vector.broadcast %and3A_801 : i32 to vector<32x1xi32>
      %and3A_803 = arith.andi %shift_right_arithmetic3A_800, %and3A_802 : vector<32x1xi32>
      %convert_element_type3A_804 = arith.sitofp %and3A_803 : vector<32x1xi32> to vector<32x1xf32>
      %slice3A_805 = vector.extract_strided_slice %get3A_766 {offsets = [1, 0], sizes = [1, 128], strides = [1, 1]} : vector<2x128xf32> to vector<1x128xf32>
      %slice3A_806 = vector.extract_strided_slice %get3A_766 {offsets = [0, 0], sizes = [1, 128], strides = [1, 1]} : vector<2x128xf32> to vector<1x128xf32>
      %sub3A_807 = arith.subf %slice3A_805, %slice3A_806 : vector<1x128xf32>
      %mul3A_808 = vector.broadcast %convert_element_type3A_804 : vector<32x1xf32> to vector<32x128xf32>
      %mul3A_809 = vector.broadcast %sub3A_807 : vector<1x128xf32> to vector<32x128xf32>
      %mul3A_810 = arith.mulf %mul3A_808, %mul3A_809 : vector<32x128xf32>
      %add3A_811 = arith.addf %add3A_797, %mul3A_810 : vector<32x128xf32>
      %shift_right_arithmetic3A_812 = arith.constant 2 : i32
      %shift_right_arithmetic3A_813 = vector.broadcast %shift_right_arithmetic3A_812 : i32 to vector<32x1xi32>
      %shift_right_arithmetic3A_814 = arith.shrsi %iota3A, %shift_right_arithmetic3A_813 : vector<32x1xi32>
      %and3A_815 = arith.constant 1 : i32
      %and3A_816 = vector.broadcast %and3A_815 : i32 to vector<32x1xi32>
      %and3A_817 = arith.andi %shift_right_arithmetic3A_814, %and3A_816 : vector<32x1xi32>
      %convert_element_type3A_818 = arith.sitofp %and3A_817 : vector<32x1xi32> to vector<32x1xf32>
      %slice3A_819 = vector.extract_strided_slice %get3A_769 {offsets = [1, 0], sizes = [1, 128], strides = [1, 1]} : vector<2x128xf32> to vector<1x128xf32>
      %slice3A_820 = vector.extract_strided_slice %get3A_769 {offsets = [0, 0], sizes = [1, 128], strides = [1, 1]} : vector<2x128xf32> to vector<1x128xf32>
      %sub3A_821 = arith.subf %slice3A_819, %slice3A_820 : vector<1x128xf32>
      %mul3A_822 = vector.broadcast %convert_element_type3A_818 : vector<32x1xf32> to vector<32x128xf32>
      %mul3A_823 = vector.broadcast %sub3A_821 : vector<1x128xf32> to vector<32x128xf32>
      %mul3A_824 = arith.mulf %mul3A_822, %mul3A_823 : vector<32x128xf32>
      %add3A_825 = arith.addf %add3A_811, %mul3A_824 : vector<32x128xf32>
      %shift_right_arithmetic3A_826 = arith.constant 1 : i32
      %shift_right_arithmetic3A_827 = vector.broadcast %shift_right_arithmetic3A_826 : i32 to vector<32x1xi32>
      %shift_right_arithmetic3A_828 = arith.shrsi %iota3A, %shift_right_arithmetic3A_827 : vector<32x1xi32>
      %and3A_829 = arith.constant 1 : i32
      %and3A_830 = vector.broadcast %and3A_829 : i32 to vector<32x1xi32>
      %and3A_831 = arith.andi %shift_right_arithmetic3A_828, %and3A_830 : vector<32x1xi32>
      %convert_element_type3A_832 = arith.sitofp %and3A_831 : vector<32x1xi32> to vector<32x1xf32>
      %slice3A_833 = vector.extract_strided_slice %get3A_772 {offsets = [1, 0], sizes = [1, 128], strides = [1, 1]} : vector<2x128xf32> to vector<1x128xf32>
      %slice3A_834 = vector.extract_strided_slice %get3A_772 {offsets = [0, 0], sizes = [1, 128], strides = [1, 1]} : vector<2x128xf32> to vector<1x128xf32>
      %sub3A_835 = arith.subf %slice3A_833, %slice3A_834 : vector<1x128xf32>
      %mul3A_836 = vector.broadcast %convert_element_type3A_832 : vector<32x1xf32> to vector<32x128xf32>
      %mul3A_837 = vector.broadcast %sub3A_835 : vector<1x128xf32> to vector<32x128xf32>
      %mul3A_838 = arith.mulf %mul3A_836, %mul3A_837 : vector<32x128xf32>
      %add3A_839 = arith.addf %add3A_825, %mul3A_838 : vector<32x128xf32>
      %shift_right_arithmetic3A_840 = arith.constant 0 : i32
      %shift_right_arithmetic3A_841 = vector.broadcast %shift_right_arithmetic3A_840 : i32 to vector<32x1xi32>
      %shift_right_arithmetic3A_842 = arith.shrsi %iota3A, %shift_right_arithmetic3A_841 : vector<32x1xi32>
      %and3A_843 = arith.constant 1 : i32
      %and3A_844 = vector.broadcast %and3A_843 : i32 to vector<32x1xi32>
      %and3A_845 = arith.andi %shift_right_arithmetic3A_842, %and3A_844 : vector<32x1xi32>
      %convert_element_type3A_846 = arith.sitofp %and3A_845 : vector<32x1xi32> to vector<32x1xf32>
      %slice3A_847 = vector.extract_strided_slice %get3A_775 {offsets = [1, 0], sizes = [1, 128], strides = [1, 1]} : vector<2x128xf32> to vector<1x128xf32>
      %slice3A_848 = vector.extract_strided_slice %get3A_775 {offsets = [0, 0], sizes = [1, 128], strides = [1, 1]} : vector<2x128xf32> to vector<1x128xf32>
      %sub3A_849 = arith.subf %slice3A_847, %slice3A_848 : vector<1x128xf32>
      %mul3A_850 = vector.broadcast %convert_element_type3A_846 : vector<32x1xf32> to vector<32x128xf32>
      %mul3A_851 = vector.broadcast %sub3A_849 : vector<1x128xf32> to vector<32x128xf32>
      %mul3A_852 = arith.mulf %mul3A_850, %mul3A_851 : vector<32x128xf32>
      %add3A_853 = arith.addf %add3A_839, %mul3A_852 : vector<32x128xf32>
      %reshape3A_854 = vector.shape_cast %add3A_853 : vector<32x128xf32> to vector<1x32x128xf32>
      %add3A_855 = vector.broadcast %reshape3A : vector<14x1x128xf32> to vector<14x32x128xf32>
      %add3A_856 = vector.broadcast %reshape3A_854 : vector<1x32x128xf32> to vector<14x32x128xf32>
      %add3A_857 = arith.addf %add3A_855, %add3A_856 : vector<14x32x128xf32>
      %reshape3A_858 = vector.shape_cast %add3A_857 : vector<14x32x128xf32> to vector<448x128xf32>
      %swap3A_859 = arith.constant 0 : index
      %swap3A_860 = arith.constant 0 : index
      %swap3A_861 = vector.load %arg22[%swap3A_859, %swap3A_860] : memref<448x128xf32, #tpu.memory_space<vmem>>, vector<448x128xf32>
      tpu.vector_store %arg22[%swap3A_859, %swap3A_860], %reshape3A_858 {strides = array<i32>} : memref<448x128xf32, #tpu.memory_space<vmem>>, vector<448x128xf32>,
      %get3A_862 = arith.constant 0 : index
      %get3A_863 = arith.constant 0 : index
      %get3A_864 = vector.load %arg10[%get3A_862, %get3A_863] : memref<2x128xf32, #tpu.memory_space<vmem>>, vector<2x128xf32>
      %get3A_865 = arith.constant 0 : index
      %get3A_866 = arith.constant 0 : index
      %get3A_867 = vector.load %arg11[%get3A_865, %get3A_866] : memref<16x128xf32, #tpu.memory_space<vmem>>, vector<16x128xf32>
      %get3A_868 = arith.constant 0 : index
      %get3A_869 = arith.constant 0 : index
      %get3A_870 = vector.load %arg12[%get3A_868, %get3A_869] : memref<9x128xf32, #tpu.memory_space<vmem>>, vector<9x128xf32>
      %get3A_871 = arith.constant 0 : index
      %get3A_872 = arith.constant 0 : index
      %get3A_873 = vector.load %arg13[%get3A_871, %get3A_872] : memref<3x128xf32, #tpu.memory_space<vmem>>, vector<3x128xf32>
      %get3A_874 = arith.constant 0 : index
      %get3A_875 = arith.constant 0 : index
      %get3A_876 = vector.load %arg14[%get3A_874, %get3A_875] : memref<2x128xf32, #tpu.memory_space<vmem>>, vector<2x128xf32>
      %get3A_877 = arith.constant 0 : index
      %get3A_878 = arith.constant 0 : index
      %get3A_879 = vector.load %arg15[%get3A_877, %get3A_878] : memref<100x128xf32, #tpu.memory_space<vmem>>, vector<100x128xf32>
      %concatenate3A_880 = tpu.concatenate %get3A_864, %get3A_867, %get3A_870, %get3A_873, %get3A_876, %get3A_879 in 0 : vector<2x128xf32>, vector<16x128xf32>, vector<9x128xf32>, vector<3x128xf32>, vector<2x128xf32>, vector<100x128xf32> -> vector<132x128xf32>
      %reduce_sum3A_881 = arith.constant dense<0.000000e+00> : vector<132xf32>
      %reduce_sum3A_882 = vector.multi_reduction <add>, %concatenate3A_880, %reduce_sum3A_881 [1] : vector<132x128xf32> to vector<132xf32>
      %broadcast_in_dim3A_883 = vector.shape_cast %reduce_sum3A_882 : vector<132xf32> to vector<132x1xf32>
      %div3A_884 = arith.constant 1.280000e+02 : f32
      %div3A_885 = vector.broadcast %div3A_884 : f32 to vector<132x1xf32>
      %div3A_886 = arith.divf %broadcast_in_dim3A_883, %div3A_885 : vector<132x1xf32>
      %sub3A_887 = vector.broadcast %div3A_886 : vector<132x1xf32> to vector<132x128xf32>
      %sub3A_888 = arith.subf %concatenate3A_880, %sub3A_887 : vector<132x128xf32>
      %mul3A_889 = arith.mulf %sub3A_888, %sub3A_888 : vector<132x128xf32>
      %reduce_sum3A_890 = arith.constant dense<0.000000e+00> : vector<132xf32>
      %reduce_sum3A_891 = vector.multi_reduction <add>, %mul3A_889, %reduce_sum3A_890 [1] : vector<132x128xf32> to vector<132xf32>
      %broadcast_in_dim3A_892 = vector.shape_cast %reduce_sum3A_891 : vector<132xf32> to vector<132x1xf32>
      %div3A_893 = arith.constant 1.280000e+02 : f32
      %div3A_894 = vector.broadcast %div3A_893 : f32 to vector<132x1xf32>
      %div3A_895 = arith.divf %broadcast_in_dim3A_892, %div3A_894 : vector<132x1xf32>
      %add3A_896 = arith.constant 9.99999974E-6 : f32
      %add3A_897 = vector.broadcast %add3A_896 : f32 to vector<132x1xf32>
      %add3A_898 = arith.addf %div3A_895, %add3A_897 : vector<132x1xf32>
      %rsqrt3A_899 = math.rsqrt %add3A_898 : vector<132x1xf32>
      %mul3A_900 = vector.broadcast %rsqrt3A_899 : vector<132x1xf32> to vector<132x128xf32>
      %mul3A_901 = arith.mulf %sub3A_888, %mul3A_900 : vector<132x128xf32>
      %mul3A_902 = vector.broadcast %get3A_1 : vector<1x128xf32> to vector<132x128xf32>
      %mul3A_903 = arith.mulf %mul3A_901, %mul3A_902 : vector<132x128xf32>
      %add3A_904 = vector.broadcast %get3A_4 : vector<1x128xf32> to vector<132x128xf32>
      %add3A_905 = arith.addf %mul3A_903, %add3A_904 : vector<132x128xf32>
      %swap3A_906 = arith.constant 0 : index
      %swap3A_907 = arith.constant 0 : index
      %swap3A_908 = vector.load %arg23[%swap3A_906, %swap3A_907] : memref<132x128xf32, #tpu.memory_space<vmem>>, vector<132x128xf32>
      tpu.vector_store %arg23[%swap3A_906, %swap3A_907], %add3A_905 {strides = array<i32>} : memref<132x128xf32, #tpu.memory_space<vmem>>, vector<132x128xf32>,
    } else {
    }
    %get3A_7 = arith.constant 0 : index
    %get3A_8 = arith.constant 0 : index
    %get3A_9 = vector.load %arg22[%get3A_7, %get3A_8] : memref<448x128xf32, #tpu.memory_space<vmem>>, vector<448x128xf32>
    %get3A_10 = arith.constant 0 : index
    %get3A_11 = arith.constant 0 : index
    %get3A_12 = arith.constant 0 : index
    %get3A_13 = vector.load %arg4[%get3A_10, %get3A_11, %get3A_12] : memref<8x1x128xf32, #tpu.memory_space<vmem>>, vector<1x1x128xf32>
    %get3A_14 = vector.shape_cast %get3A_13 : vector<1x1x128xf32> to vector<1x128xf32>
    %add3A = vector.broadcast %get3A_14 : vector<1x128xf32> to vector<448x128xf32>
    %add3A_15 = arith.addf %get3A_9, %add3A : vector<448x128xf32>
    %reduce_sum3A = arith.constant dense<0.000000e+00> : vector<448xf32>
    %reduce_sum3A_16 = vector.multi_reduction <add>, %add3A_15, %reduce_sum3A [1] : vector<448x128xf32> to vector<448xf32>
    %broadcast_in_dim3A = vector.shape_cast %reduce_sum3A_16 : vector<448xf32> to vector<448x1xf32>
    %div3A = arith.constant 1.280000e+02 : f32
    %div3A_17 = vector.broadcast %div3A : f32 to vector<448x1xf32>
    %div3A_18 = arith.divf %broadcast_in_dim3A, %div3A_17 : vector<448x1xf32>
    %sub3A = vector.broadcast %div3A_18 : vector<448x1xf32> to vector<448x128xf32>
    %sub3A_19 = arith.subf %add3A_15, %sub3A : vector<448x128xf32>
    %mul3A = arith.mulf %sub3A_19, %sub3A_19 : vector<448x128xf32>
    %reduce_sum3A_20 = arith.constant dense<0.000000e+00> : vector<448xf32>
    %reduce_sum3A_21 = vector.multi_reduction <add>, %mul3A, %reduce_sum3A_20 [1] : vector<448x128xf32> to vector<448xf32>
    %broadcast_in_dim3A_22 = vector.shape_cast %reduce_sum3A_21 : vector<448xf32> to vector<448x1xf32>
    %div3A_23 = arith.constant 1.280000e+02 : f32
    %div3A_24 = vector.broadcast %div3A_23 : f32 to vector<448x1xf32>
    %div3A_25 = arith.divf %broadcast_in_dim3A_22, %div3A_24 : vector<448x1xf32>
    %add3A_26 = arith.constant 9.99999974E-6 : f32
    %add3A_27 = vector.broadcast %add3A_26 : f32 to vector<448x1xf32>
    %add3A_28 = arith.addf %div3A_25, %add3A_27 : vector<448x1xf32>
    %rsqrt3A = math.rsqrt %add3A_28 : vector<448x1xf32>
    %mul3A_29 = vector.broadcast %rsqrt3A : vector<448x1xf32> to vector<448x128xf32>
    %mul3A_30 = arith.mulf %sub3A_19, %mul3A_29 : vector<448x128xf32>
    %mul3A_31 = vector.broadcast %get3A_1 : vector<1x128xf32> to vector<448x128xf32>
    %mul3A_32 = arith.mulf %mul3A_30, %mul3A_31 : vector<448x128xf32>
    %add3A_33 = vector.broadcast %get3A_4 : vector<1x128xf32> to vector<448x128xf32>
    %add3A_34 = arith.addf %mul3A_32, %add3A_33 : vector<448x128xf32>
    %swap3A = arith.constant 0 : index
    %swap3A_35 = arith.constant 0 : index
    %swap3A_36 = vector.load %arg21[%swap3A, %swap3A_35] : memref<5184x128xf32, #tpu.memory_space<vmem>>, vector<448x128xf32>
    tpu.vector_store %arg21[%swap3A, %swap3A_35], %add3A_34 {strides = array<i32>} : memref<5184x128xf32, #tpu.memory_space<vmem>>, vector<448x128xf32>,
    %get3A_37 = arith.constant 0 : index
    %get3A_38 = arith.constant 0 : index
    %get3A_39 = arith.constant 0 : index
    %get3A_40 = vector.load %arg16[%get3A_37, %get3A_38, %get3A_39] : memref<8x1x64xf32, #tpu.memory_space<vmem>>, vector<1x1x64xf32>
    %get3A_41 = vector.shape_cast %get3A_40 : vector<1x1x64xf32> to vector<1x64xf32>
    %get3A_42 = arith.constant 0 : index
    %get3A_43 = arith.constant 0 : index
    %get3A_44 = vector.load %arg17[%get3A_42, %get3A_43] : memref<1x128xf32, #tpu.memory_space<vmem>>, vector<1x128xf32>
    %dot_general3A = arith.constant dense<0.000000e+00> : vector<64x128xf32>
    %dot_general3A_45 = tpu.matmul %get3A_41, %get3A_44, %dot_general3A {dimension_numbers = #tpu.dot_dimension_numbers<[0], [0], [1], [1], [0, 1, 1, 1], [], []>, transpose_lhs_hint = false} : vector<1x64xf32>, vector<1x128xf32>, vector<64x128xf32> -> vector<64x128xf32>
    %get3A_46 = arith.constant 0 : index
    %get3A_47 = arith.constant 0 : index
    %get3A_48 = vector.load %arg18[%get3A_46, %get3A_47] : memref<1x128xf32, #tpu.memory_space<vmem>>, vector<1x128xf32>
    %add3A_49 = vector.broadcast %get3A_48 : vector<1x128xf32> to vector<64x128xf32>
    %add3A_50 = arith.addf %dot_general3A_45, %add3A_49 : vector<64x128xf32>
    %reduce_sum3A_51 = arith.constant dense<0.000000e+00> : vector<64xf32>
    %reduce_sum3A_52 = vector.multi_reduction <add>, %add3A_50, %reduce_sum3A_51 [1] : vector<64x128xf32> to vector<64xf32>
    %broadcast_in_dim3A_53 = vector.shape_cast %reduce_sum3A_52 : vector<64xf32> to vector<64x1xf32>
    %div3A_54 = arith.constant 1.280000e+02 : f32
    %div3A_55 = vector.broadcast %div3A_54 : f32 to vector<64x1xf32>
    %div3A_56 = arith.divf %broadcast_in_dim3A_53, %div3A_55 : vector<64x1xf32>
    %sub3A_57 = vector.broadcast %div3A_56 : vector<64x1xf32> to vector<64x128xf32>
    %sub3A_58 = arith.subf %add3A_50, %sub3A_57 : vector<64x128xf32>
    %mul3A_59 = arith.mulf %sub3A_58, %sub3A_58 : vector<64x128xf32>
    %reduce_sum3A_60 = arith.constant dense<0.000000e+00> : vector<64xf32>
    %reduce_sum3A_61 = vector.multi_reduction <add>, %mul3A_59, %reduce_sum3A_60 [1] : vector<64x128xf32> to vector<64xf32>
    %broadcast_in_dim3A_62 = vector.shape_cast %reduce_sum3A_61 : vector<64xf32> to vector<64x1xf32>
    %div3A_63 = arith.constant 1.280000e+02 : f32
    %div3A_64 = vector.broadcast %div3A_63 : f32 to vector<64x1xf32>
    %div3A_65 = arith.divf %broadcast_in_dim3A_62, %div3A_64 : vector<64x1xf32>
    %add3A_66 = arith.constant 9.99999974E-6 : f32
    %add3A_67 = vector.broadcast %add3A_66 : f32 to vector<64x1xf32>
    %add3A_68 = arith.addf %div3A_65, %add3A_67 : vector<64x1xf32>
    %rsqrt3A_69 = math.rsqrt %add3A_68 : vector<64x1xf32>
    %mul3A_70 = vector.broadcast %rsqrt3A_69 : vector<64x1xf32> to vector<64x128xf32>
    %mul3A_71 = arith.mulf %sub3A_58, %mul3A_70 : vector<64x128xf32>
    %mul3A_72 = vector.broadcast %get3A_1 : vector<1x128xf32> to vector<64x128xf32>
    %mul3A_73 = arith.mulf %mul3A_71, %mul3A_72 : vector<64x128xf32>
    %add3A_74 = vector.broadcast %get3A_4 : vector<1x128xf32> to vector<64x128xf32>
    %add3A_75 = arith.addf %mul3A_73, %add3A_74 : vector<64x128xf32>
    %swap3A_76 = arith.constant 448 : index
    %swap3A_77 = arith.constant 0 : index
    %swap3A_78 = vector.load %arg21[%swap3A_76, %swap3A_77] : memref<5184x128xf32, #tpu.memory_space<vmem>>, vector<64x128xf32>
    tpu.vector_store %arg21[%swap3A_76, %swap3A_77], %add3A_75 {strides = array<i32>} : memref<5184x128xf32, #tpu.memory_space<vmem>>, vector<64x128xf32>,
    %get3A_79 = arith.constant 0 : index
    %get3A_80 = arith.constant 0 : index
    %get3A_81 = vector.load %arg23[%get3A_79, %get3A_80] : memref<132x128xf32, #tpu.memory_space<vmem>>, vector<132x128xf32>
    %swap3A_82 = arith.constant 512 : index
    %swap3A_83 = arith.constant 0 : index
    %swap3A_84 = vector.load %arg21[%swap3A_82, %swap3A_83] : memref<5184x128xf32, #tpu.memory_space<vmem>>, vector<132x128xf32>
    tpu.vector_store %arg21[%swap3A_82, %swap3A_83], %get3A_81 {strides = array<i32>} : memref<5184x128xf32, #tpu.memory_space<vmem>>, vector<132x128xf32>,
    %broadcast_in_dim3A_85 = arith.constant 0.000000e+00 : f32
    %broadcast_in_dim3A_86 = vector.broadcast %broadcast_in_dim3A_85 : f32 to vector<4x128xf32>
    %swap3A_87 = arith.constant 644 : index
    %swap3A_88 = arith.constant 0 : index
    %swap3A_89 = vector.load %arg21[%swap3A_87, %swap3A_88] : memref<5184x128xf32, #tpu.memory_space<vmem>>, vector<4x128xf32>
    tpu.vector_store %arg21[%swap3A_87, %swap3A_88], %broadcast_in_dim3A_86 {strides = array<i32>} : memref<5184x128xf32, #tpu.memory_space<vmem>>, vector<4x128xf32>,
    %get3A_90 = arith.constant 0 : index
    %get3A_91 = arith.constant 0 : index
    %get3A_92 = vector.load %arg22[%get3A_90, %get3A_91] : memref<448x128xf32, #tpu.memory_space<vmem>>, vector<448x128xf32>
    %get3A_93 = arith.constant 1 : index
    %get3A_94 = arith.constant 0 : index
    %get3A_95 = arith.constant 0 : index
    %get3A_96 = vector.load %arg4[%get3A_93, %get3A_94, %get3A_95] : memref<8x1x128xf32, #tpu.memory_space<vmem>>, vector<1x1x128xf32>
    %get3A_97 = vector.shape_cast %get3A_96 : vector<1x1x128xf32> to vector<1x128xf32>
    %add3A_98 = vector.broadcast %get3A_97 : vector<1x128xf32> to vector<448x128xf32>
    %add3A_99 = arith.addf %get3A_92, %add3A_98 : vector<448x128xf32>
    %reduce_sum3A_100 = arith.constant dense<0.000000e+00> : vector<448xf32>
    %reduce_sum3A_101 = vector.multi_reduction <add>, %add3A_99, %reduce_sum3A_100 [1] : vector<448x128xf32> to vector<448xf32>
    %broadcast_in_dim3A_102 = vector.shape_cast %reduce_sum3A_101 : vector<448xf32> to vector<448x1xf32>
    %div3A_103 = arith.constant 1.280000e+02 : f32
    %div3A_104 = vector.broadcast %div3A_103 : f32 to vector<448x1xf32>
    %div3A_105 = arith.divf %broadcast_in_dim3A_102, %div3A_104 : vector<448x1xf32>
    %sub3A_106 = vector.broadcast %div3A_105 : vector<448x1xf32> to vector<448x128xf32>
    %sub3A_107 = arith.subf %add3A_99, %sub3A_106 : vector<448x128xf32>
    %mul3A_108 = arith.mulf %sub3A_107, %sub3A_107 : vector<448x128xf32>
    %reduce_sum3A_109 = arith.constant dense<0.000000e+00> : vector<448xf32>
    %reduce_sum3A_110 = vector.multi_reduction <add>, %mul3A_108, %reduce_sum3A_109 [1] : vector<448x128xf32> to vector<448xf32>
    %broadcast_in_dim3A_111 = vector.shape_cast %reduce_sum3A_110 : vector<448xf32> to vector<448x1xf32>
    %div3A_112 = arith.constant 1.280000e+02 : f32
    %div3A_113 = vector.broadcast %div3A_112 : f32 to vector<448x1xf32>
    %div3A_114 = arith.divf %broadcast_in_dim3A_111, %div3A_113 : vector<448x1xf32>
    %add3A_115 = arith.constant 9.99999974E-6 : f32
    %add3A_116 = vector.broadcast %add3A_115 : f32 to vector<448x1xf32>
    %add3A_117 = arith.addf %div3A_114, %add3A_116 : vector<448x1xf32>
    %rsqrt3A_118 = math.rsqrt %add3A_117 : vector<448x1xf32>
    %mul3A_119 = vector.broadcast %rsqrt3A_118 : vector<448x1xf32> to vector<448x128xf32>
    %mul3A_120 = arith.mulf %sub3A_107, %mul3A_119 : vector<448x128xf32>
    %mul3A_121 = vector.broadcast %get3A_1 : vector<1x128xf32> to vector<448x128xf32>
    %mul3A_122 = arith.mulf %mul3A_120, %mul3A_121 : vector<448x128xf32>
    %add3A_123 = vector.broadcast %get3A_4 : vector<1x128xf32> to vector<448x128xf32>
    %add3A_124 = arith.addf %mul3A_122, %add3A_123 : vector<448x128xf32>
    %swap3A_125 = arith.constant 648 : index
    %swap3A_126 = arith.constant 0 : index
    %swap3A_127 = vector.load %arg21[%swap3A_125, %swap3A_126] : memref<5184x128xf32, #tpu.memory_space<vmem>>, vector<448x128xf32>
    tpu.vector_store %arg21[%swap3A_125, %swap3A_126], %add3A_124 {strides = array<i32>} : memref<5184x128xf32, #tpu.memory_space<vmem>>, vector<448x128xf32>,
    %get3A_128 = arith.constant 1 : index
    %get3A_129 = arith.constant 0 : index
    %get3A_130 = arith.constant 0 : index
    %get3A_131 = vector.load %arg16[%get3A_128, %get3A_129, %get3A_130] : memref<8x1x64xf32, #tpu.memory_space<vmem>>, vector<1x1x64xf32>
    %get3A_132 = vector.shape_cast %get3A_131 : vector<1x1x64xf32> to vector<1x64xf32>
    %get3A_133 = arith.constant 0 : index
    %get3A_134 = arith.constant 0 : index
    %get3A_135 = vector.load %arg17[%get3A_133, %get3A_134] : memref<1x128xf32, #tpu.memory_space<vmem>>, vector<1x128xf32>
    %dot_general3A_136 = arith.constant dense<0.000000e+00> : vector<64x128xf32>
    %dot_general3A_137 = tpu.matmul %get3A_132, %get3A_135, %dot_general3A_136 {dimension_numbers = #tpu.dot_dimension_numbers<[0], [0], [1], [1], [0, 1, 1, 1], [], []>, transpose_lhs_hint = false} : vector<1x64xf32>, vector<1x128xf32>, vector<64x128xf32> -> vector<64x128xf32>
    %get3A_138 = arith.constant 0 : index
    %get3A_139 = arith.constant 0 : index
    %get3A_140 = vector.load %arg18[%get3A_138, %get3A_139] : memref<1x128xf32, #tpu.memory_space<vmem>>, vector<1x128xf32>
    %add3A_141 = vector.broadcast %get3A_140 : vector<1x128xf32> to vector<64x128xf32>
    %add3A_142 = arith.addf %dot_general3A_137, %add3A_141 : vector<64x128xf32>
    %reduce_sum3A_143 = arith.constant dense<0.000000e+00> : vector<64xf32>
    %reduce_sum3A_144 = vector.multi_reduction <add>, %add3A_142, %reduce_sum3A_143 [1] : vector<64x128xf32> to vector<64xf32>
    %broadcast_in_dim3A_145 = vector.shape_cast %reduce_sum3A_144 : vector<64xf32> to vector<64x1xf32>
    %div3A_146 = arith.constant 1.280000e+02 : f32
    %div3A_147 = vector.broadcast %div3A_146 : f32 to vector<64x1xf32>
    %div3A_148 = arith.divf %broadcast_in_dim3A_145, %div3A_147 : vector<64x1xf32>
    %sub3A_149 = vector.broadcast %div3A_148 : vector<64x1xf32> to vector<64x128xf32>
    %sub3A_150 = arith.subf %add3A_142, %sub3A_149 : vector<64x128xf32>
    %mul3A_151 = arith.mulf %sub3A_150, %sub3A_150 : vector<64x128xf32>
    %reduce_sum3A_152 = arith.constant dense<0.000000e+00> : vector<64xf32>
    %reduce_sum3A_153 = vector.multi_reduction <add>, %mul3A_151, %reduce_sum3A_152 [1] : vector<64x128xf32> to vector<64xf32>
    %broadcast_in_dim3A_154 = vector.shape_cast %reduce_sum3A_153 : vector<64xf32> to vector<64x1xf32>
    %div3A_155 = arith.constant 1.280000e+02 : f32
    %div3A_156 = vector.broadcast %div3A_155 : f32 to vector<64x1xf32>
    %div3A_157 = arith.divf %broadcast_in_dim3A_154, %div3A_156 : vector<64x1xf32>
    %add3A_158 = arith.constant 9.99999974E-6 : f32
    %add3A_159 = vector.broadcast %add3A_158 : f32 to vector<64x1xf32>
    %add3A_160 = arith.addf %div3A_157, %add3A_159 : vector<64x1xf32>
    %rsqrt3A_161 = math.rsqrt %add3A_160 : vector<64x1xf32>
    %mul3A_162 = vector.broadcast %rsqrt3A_161 : vector<64x1xf32> to vector<64x128xf32>
    %mul3A_163 = arith.mulf %sub3A_150, %mul3A_162 : vector<64x128xf32>
    %mul3A_164 = vector.broadcast %get3A_1 : vector<1x128xf32> to vector<64x128xf32>
    %mul3A_165 = arith.mulf %mul3A_163, %mul3A_164 : vector<64x128xf32>
    %add3A_166 = vector.broadcast %get3A_4 : vector<1x128xf32> to vector<64x128xf32>
    %add3A_167 = arith.addf %mul3A_165, %add3A_166 : vector<64x128xf32>
    %swap3A_168 = arith.constant 1096 : index
    %swap3A_169 = arith.constant 0 : index
    %swap3A_170 = vector.load %arg21[%swap3A_168, %swap3A_169] : memref<5184x128xf32, #tpu.memory_space<vmem>>, vector<64x128xf32>
    tpu.vector_store %arg21[%swap3A_168, %swap3A_169], %add3A_167 {strides = array<i32>} : memref<5184x128xf32, #tpu.memory_space<vmem>>, vector<64x128xf32>,
    %get3A_171 = arith.constant 0 : index
    %get3A_172 = arith.constant 0 : index
    %get3A_173 = vector.load %arg23[%get3A_171, %get3A_172] : memref<132x128xf32, #tpu.memory_space<vmem>>, vector<132x128xf32>
    %swap3A_174 = arith.constant 1160 : index
    %swap3A_175 = arith.constant 0 : index
    %swap3A_176 = vector.load %arg21[%swap3A_174, %swap3A_175] : memref<5184x128xf32, #tpu.memory_space<vmem>>, vector<132x128xf32>
    tpu.vector_store %arg21[%swap3A_174, %swap3A_175], %get3A_173 {strides = array<i32>} : memref<5184x128xf32, #tpu.memory_space<vmem>>, vector<132x128xf32>,
    %broadcast_in_dim3A_177 = arith.constant 0.000000e+00 : f32
    %broadcast_in_dim3A_178 = vector.broadcast %broadcast_in_dim3A_177 : f32 to vector<4x128xf32>
    %swap3A_179 = arith.constant 1292 : index
    %swap3A_180 = arith.constant 0 : index
    %swap3A_181 = vector.load %arg21[%swap3A_179, %swap3A_180] : memref<5184x128xf32, #tpu.memory_space<vmem>>, vector<4x128xf32>
    tpu.vector_store %arg21[%swap3A_179, %swap3A_180], %broadcast_in_dim3A_178 {strides = array<i32>} : memref<5184x128xf32, #tpu.memory_space<vmem>>, vector<4x128xf32>,
    %get3A_182 = arith.constant 0 : index
    %get3A_183 = arith.constant 0 : index
    %get3A_184 = vector.load %arg22[%get3A_182, %get3A_183] : memref<448x128xf32, #tpu.memory_space<vmem>>, vector<448x128xf32>
    %get3A_185 = arith.constant 2 : index
    %get3A_186 = arith.constant 0 : index
    %get3A_187 = arith.constant 0 : index
    %get3A_188 = vector.load %arg4[%get3A_185, %get3A_186, %get3A_187] : memref<8x1x128xf32, #tpu.memory_space<vmem>>, vector<1x1x128xf32>
    %get3A_189 = vector.shape_cast %get3A_188 : vector<1x1x128xf32> to vector<1x128xf32>
    %add3A_190 = vector.broadcast %get3A_189 : vector<1x128xf32> to vector<448x128xf32>
    %add3A_191 = arith.addf %get3A_184, %add3A_190 : vector<448x128xf32>
    %reduce_sum3A_192 = arith.constant dense<0.000000e+00> : vector<448xf32>
    %reduce_sum3A_193 = vector.multi_reduction <add>, %add3A_191, %reduce_sum3A_192 [1] : vector<448x128xf32> to vector<448xf32>
    %broadcast_in_dim3A_194 = vector.shape_cast %reduce_sum3A_193 : vector<448xf32> to vector<448x1xf32>
    %div3A_195 = arith.constant 1.280000e+02 : f32
    %div3A_196 = vector.broadcast %div3A_195 : f32 to vector<448x1xf32>
    %div3A_197 = arith.divf %broadcast_in_dim3A_194, %div3A_196 : vector<448x1xf32>
    %sub3A_198 = vector.broadcast %div3A_197 : vector<448x1xf32> to vector<448x128xf32>
    %sub3A_199 = arith.subf %add3A_191, %sub3A_198 : vector<448x128xf32>
    %mul3A_200 = arith.mulf %sub3A_199, %sub3A_199 : vector<448x128xf32>
    %reduce_sum3A_201 = arith.constant dense<0.000000e+00> : vector<448xf32>
    %reduce_sum3A_202 = vector.multi_reduction <add>, %mul3A_200, %reduce_sum3A_201 [1] : vector<448x128xf32> to vector<448xf32>
    %broadcast_in_dim3A_203 = vector.shape_cast %reduce_sum3A_202 : vector<448xf32> to vector<448x1xf32>
    %div3A_204 = arith.constant 1.280000e+02 : f32
    %div3A_205 = vector.broadcast %div3A_204 : f32 to vector<448x1xf32>
    %div3A_206 = arith.divf %broadcast_in_dim3A_203, %div3A_205 : vector<448x1xf32>
    %add3A_207 = arith.constant 9.99999974E-6 : f32
    %add3A_208 = vector.broadcast %add3A_207 : f32 to vector<448x1xf32>
    %add3A_209 = arith.addf %div3A_206, %add3A_208 : vector<448x1xf32>
    %rsqrt3A_210 = math.rsqrt %add3A_209 : vector<448x1xf32>
    %mul3A_211 = vector.broadcast %rsqrt3A_210 : vector<448x1xf32> to vector<448x128xf32>
    %mul3A_212 = arith.mulf %sub3A_199, %mul3A_211 : vector<448x128xf32>
    %mul3A_213 = vector.broadcast %get3A_1 : vector<1x128xf32> to vector<448x128xf32>
    %mul3A_214 = arith.mulf %mul3A_212, %mul3A_213 : vector<448x128xf32>
    %add3A_215 = vector.broadcast %get3A_4 : vector<1x128xf32> to vector<448x128xf32>
    %add3A_216 = arith.addf %mul3A_214, %add3A_215 : vector<448x128xf32>
    %swap3A_217 = arith.constant 1296 : index
    %swap3A_218 = arith.constant 0 : index
    %swap3A_219 = vector.load %arg21[%swap3A_217, %swap3A_218] : memref<5184x128xf32, #tpu.memory_space<vmem>>, vector<448x128xf32>
    tpu.vector_store %arg21[%swap3A_217, %swap3A_218], %add3A_216 {strides = array<i32>} : memref<5184x128xf32, #tpu.memory_space<vmem>>, vector<448x128xf32>,
    %get3A_220 = arith.constant 2 : index
    %get3A_221 = arith.constant 0 : index
    %get3A_222 = arith.constant 0 : index
    %get3A_223 = vector.load %arg16[%get3A_220, %get3A_221, %get3A_222] : memref<8x1x64xf32, #tpu.memory_space<vmem>>, vector<1x1x64xf32>
    %get3A_224 = vector.shape_cast %get3A_223 : vector<1x1x64xf32> to vector<1x64xf32>
    %get3A_225 = arith.constant 0 : index
    %get3A_226 = arith.constant 0 : index
    %get3A_227 = vector.load %arg17[%get3A_225, %get3A_226] : memref<1x128xf32, #tpu.memory_space<vmem>>, vector<1x128xf32>
    %dot_general3A_228 = arith.constant dense<0.000000e+00> : vector<64x128xf32>
    %dot_general3A_229 = tpu.matmul %get3A_224, %get3A_227, %dot_general3A_228 {dimension_numbers = #tpu.dot_dimension_numbers<[0], [0], [1], [1], [0, 1, 1, 1], [], []>, transpose_lhs_hint = false} : vector<1x64xf32>, vector<1x128xf32>, vector<64x128xf32> -> vector<64x128xf32>
    %get3A_230 = arith.constant 0 : index
    %get3A_231 = arith.constant 0 : index
    %get3A_232 = vector.load %arg18[%get3A_230, %get3A_231] : memref<1x128xf32, #tpu.memory_space<vmem>>, vector<1x128xf32>
    %add3A_233 = vector.broadcast %get3A_232 : vector<1x128xf32> to vector<64x128xf32>
    %add3A_234 = arith.addf %dot_general3A_229, %add3A_233 : vector<64x128xf32>
    %reduce_sum3A_235 = arith.constant dense<0.000000e+00> : vector<64xf32>
    %reduce_sum3A_236 = vector.multi_reduction <add>, %add3A_234, %reduce_sum3A_235 [1] : vector<64x128xf32> to vector<64xf32>
    %broadcast_in_dim3A_237 = vector.shape_cast %reduce_sum3A_236 : vector<64xf32> to vector<64x1xf32>
    %div3A_238 = arith.constant 1.280000e+02 : f32
    %div3A_239 = vector.broadcast %div3A_238 : f32 to vector<64x1xf32>
    %div3A_240 = arith.divf %broadcast_in_dim3A_237, %div3A_239 : vector<64x1xf32>
    %sub3A_241 = vector.broadcast %div3A_240 : vector<64x1xf32> to vector<64x128xf32>
    %sub3A_242 = arith.subf %add3A_234, %sub3A_241 : vector<64x128xf32>
    %mul3A_243 = arith.mulf %sub3A_242, %sub3A_242 : vector<64x128xf32>
    %reduce_sum3A_244 = arith.constant dense<0.000000e+00> : vector<64xf32>
    %reduce_sum3A_245 = vector.multi_reduction <add>, %mul3A_243, %reduce_sum3A_244 [1] : vector<64x128xf32> to vector<64xf32>
    %broadcast_in_dim3A_246 = vector.shape_cast %reduce_sum3A_245 : vector<64xf32> to vector<64x1xf32>
    %div3A_247 = arith.constant 1.280000e+02 : f32
    %div3A_248 = vector.broadcast %div3A_247 : f32 to vector<64x1xf32>
    %div3A_249 = arith.divf %broadcast_in_dim3A_246, %div3A_248 : vector<64x1xf32>
    %add3A_250 = arith.constant 9.99999974E-6 : f32
    %add3A_251 = vector.broadcast %add3A_250 : f32 to vector<64x1xf32>
    %add3A_252 = arith.addf %div3A_249, %add3A_251 : vector<64x1xf32>
    %rsqrt3A_253 = math.rsqrt %add3A_252 : vector<64x1xf32>
    %mul3A_254 = vector.broadcast %rsqrt3A_253 : vector<64x1xf32> to vector<64x128xf32>
    %mul3A_255 = arith.mulf %sub3A_242, %mul3A_254 : vector<64x128xf32>
    %mul3A_256 = vector.broadcast %get3A_1 : vector<1x128xf32> to vector<64x128xf32>
    %mul3A_257 = arith.mulf %mul3A_255, %mul3A_256 : vector<64x128xf32>
    %add3A_258 = vector.broadcast %get3A_4 : vector<1x128xf32> to vector<64x128xf32>
    %add3A_259 = arith.addf %mul3A_257, %add3A_258 : vector<64x128xf32>
    %swap3A_260 = arith.constant 1744 : index
    %swap3A_261 = arith.constant 0 : index
    %swap3A_262 = vector.load %arg21[%swap3A_260, %swap3A_261] : memref<5184x128xf32, #tpu.memory_space<vmem>>, vector<64x128xf32>
    tpu.vector_store %arg21[%swap3A_260, %swap3A_261], %add3A_259 {strides = array<i32>} : memref<5184x128xf32, #tpu.memory_space<vmem>>, vector<64x128xf32>,
    %get3A_263 = arith.constant 0 : index
    %get3A_264 = arith.constant 0 : index
    %get3A_265 = vector.load %arg23[%get3A_263, %get3A_264] : memref<132x128xf32, #tpu.memory_space<vmem>>, vector<132x128xf32>
    %swap3A_266 = arith.constant 1808 : index
    %swap3A_267 = arith.constant 0 : index
    %swap3A_268 = vector.load %arg21[%swap3A_266, %swap3A_267] : memref<5184x128xf32, #tpu.memory_space<vmem>>, vector<132x128xf32>
    tpu.vector_store %arg21[%swap3A_266, %swap3A_267], %get3A_265 {strides = array<i32>} : memref<5184x128xf32, #tpu.memory_space<vmem>>, vector<132x128xf32>,
    %broadcast_in_dim3A_269 = arith.constant 0.000000e+00 : f32
    %broadcast_in_dim3A_270 = vector.broadcast %broadcast_in_dim3A_269 : f32 to vector<4x128xf32>
    %swap3A_271 = arith.constant 1940 : index
    %swap3A_272 = arith.constant 0 : index
    %swap3A_273 = vector.load %arg21[%swap3A_271, %swap3A_272] : memref<5184x128xf32, #tpu.memory_space<vmem>>, vector<4x128xf32>
    tpu.vector_store %arg21[%swap3A_271, %swap3A_272], %broadcast_in_dim3A_270 {strides = array<i32>} : memref<5184x128xf32, #tpu.memory_space<vmem>>, vector<4x128xf32>,
    %get3A_274 = arith.constant 0 : index
    %get3A_275 = arith.constant 0 : index
    %get3A_276 = vector.load %arg22[%get3A_274, %get3A_275] : memref<448x128xf32, #tpu.memory_space<vmem>>, vector<448x128xf32>
    %get3A_277 = arith.constant 3 : index
    %get3A_278 = arith.constant 0 : index
    %get3A_279 = arith.constant 0 : index
    %get3A_280 = vector.load %arg4[%get3A_277, %get3A_278, %get3A_279] : memref<8x1x128xf32, #tpu.memory_space<vmem>>, vector<1x1x128xf32>
    %get3A_281 = vector.shape_cast %get3A_280 : vector<1x1x128xf32> to vector<1x128xf32>
    %add3A_282 = vector.broadcast %get3A_281 : vector<1x128xf32> to vector<448x128xf32>
    %add3A_283 = arith.addf %get3A_276, %add3A_282 : vector<448x128xf32>
    %reduce_sum3A_284 = arith.constant dense<0.000000e+00> : vector<448xf32>
    %reduce_sum3A_285 = vector.multi_reduction <add>, %add3A_283, %reduce_sum3A_284 [1] : vector<448x128xf32> to vector<448xf32>
    %broadcast_in_dim3A_286 = vector.shape_cast %reduce_sum3A_285 : vector<448xf32> to vector<448x1xf32>
    %div3A_287 = arith.constant 1.280000e+02 : f32
    %div3A_288 = vector.broadcast %div3A_287 : f32 to vector<448x1xf32>
    %div3A_289 = arith.divf %broadcast_in_dim3A_286, %div3A_288 : vector<448x1xf32>
    %sub3A_290 = vector.broadcast %div3A_289 : vector<448x1xf32> to vector<448x128xf32>
    %sub3A_291 = arith.subf %add3A_283, %sub3A_290 : vector<448x128xf32>
    %mul3A_292 = arith.mulf %sub3A_291, %sub3A_291 : vector<448x128xf32>
    %reduce_sum3A_293 = arith.constant dense<0.000000e+00> : vector<448xf32>
    %reduce_sum3A_294 = vector.multi_reduction <add>, %mul3A_292, %reduce_sum3A_293 [1] : vector<448x128xf32> to vector<448xf32>
    %broadcast_in_dim3A_295 = vector.shape_cast %reduce_sum3A_294 : vector<448xf32> to vector<448x1xf32>
    %div3A_296 = arith.constant 1.280000e+02 : f32
    %div3A_297 = vector.broadcast %div3A_296 : f32 to vector<448x1xf32>
    %div3A_298 = arith.divf %broadcast_in_dim3A_295, %div3A_297 : vector<448x1xf32>
    %add3A_299 = arith.constant 9.99999974E-6 : f32
    %add3A_300 = vector.broadcast %add3A_299 : f32 to vector<448x1xf32>
    %add3A_301 = arith.addf %div3A_298, %add3A_300 : vector<448x1xf32>
    %rsqrt3A_302 = math.rsqrt %add3A_301 : vector<448x1xf32>
    %mul3A_303 = vector.broadcast %rsqrt3A_302 : vector<448x1xf32> to vector<448x128xf32>
    %mul3A_304 = arith.mulf %sub3A_291, %mul3A_303 : vector<448x128xf32>
    %mul3A_305 = vector.broadcast %get3A_1 : vector<1x128xf32> to vector<448x128xf32>
    %mul3A_306 = arith.mulf %mul3A_304, %mul3A_305 : vector<448x128xf32>
    %add3A_307 = vector.broadcast %get3A_4 : vector<1x128xf32> to vector<448x128xf32>
    %add3A_308 = arith.addf %mul3A_306, %add3A_307 : vector<448x128xf32>
    %swap3A_309 = arith.constant 1944 : index
    %swap3A_310 = arith.constant 0 : index
    %swap3A_311 = vector.load %arg21[%swap3A_309, %swap3A_310] : memref<5184x128xf32, #tpu.memory_space<vmem>>, vector<448x128xf32>
    tpu.vector_store %arg21[%swap3A_309, %swap3A_310], %add3A_308 {strides = array<i32>} : memref<5184x128xf32, #tpu.memory_space<vmem>>, vector<448x128xf32>,
    %get3A_312 = arith.constant 3 : index
    %get3A_313 = arith.constant 0 : index
    %get3A_314 = arith.constant 0 : index
    %get3A_315 = vector.load %arg16[%get3A_312, %get3A_313, %get3A_314] : memref<8x1x64xf32, #tpu.memory_space<vmem>>, vector<1x1x64xf32>
    %get3A_316 = vector.shape_cast %get3A_315 : vector<1x1x64xf32> to vector<1x64xf32>
    %get3A_317 = arith.constant 0 : index
    %get3A_318 = arith.constant 0 : index
    %get3A_319 = vector.load %arg17[%get3A_317, %get3A_318] : memref<1x128xf32, #tpu.memory_space<vmem>>, vector<1x128xf32>
    %dot_general3A_320 = arith.constant dense<0.000000e+00> : vector<64x128xf32>
    %dot_general3A_321 = tpu.matmul %get3A_316, %get3A_319, %dot_general3A_320 {dimension_numbers = #tpu.dot_dimension_numbers<[0], [0], [1], [1], [0, 1, 1, 1], [], []>, transpose_lhs_hint = false} : vector<1x64xf32>, vector<1x128xf32>, vector<64x128xf32> -> vector<64x128xf32>
    %get3A_322 = arith.constant 0 : index
    %get3A_323 = arith.constant 0 : index
    %get3A_324 = vector.load %arg18[%get3A_322, %get3A_323] : memref<1x128xf32, #tpu.memory_space<vmem>>, vector<1x128xf32>
    %add3A_325 = vector.broadcast %get3A_324 : vector<1x128xf32> to vector<64x128xf32>
    %add3A_326 = arith.addf %dot_general3A_321, %add3A_325 : vector<64x128xf32>
    %reduce_sum3A_327 = arith.constant dense<0.000000e+00> : vector<64xf32>
    %reduce_sum3A_328 = vector.multi_reduction <add>, %add3A_326, %reduce_sum3A_327 [1] : vector<64x128xf32> to vector<64xf32>
    %broadcast_in_dim3A_329 = vector.shape_cast %reduce_sum3A_328 : vector<64xf32> to vector<64x1xf32>
    %div3A_330 = arith.constant 1.280000e+02 : f32
    %div3A_331 = vector.broadcast %div3A_330 : f32 to vector<64x1xf32>
    %div3A_332 = arith.divf %broadcast_in_dim3A_329, %div3A_331 : vector<64x1xf32>
    %sub3A_333 = vector.broadcast %div3A_332 : vector<64x1xf32> to vector<64x128xf32>
    %sub3A_334 = arith.subf %add3A_326, %sub3A_333 : vector<64x128xf32>
    %mul3A_335 = arith.mulf %sub3A_334, %sub3A_334 : vector<64x128xf32>
    %reduce_sum3A_336 = arith.constant dense<0.000000e+00> : vector<64xf32>
    %reduce_sum3A_337 = vector.multi_reduction <add>, %mul3A_335, %reduce_sum3A_336 [1] : vector<64x128xf32> to vector<64xf32>
    %broadcast_in_dim3A_338 = vector.shape_cast %reduce_sum3A_337 : vector<64xf32> to vector<64x1xf32>
    %div3A_339 = arith.constant 1.280000e+02 : f32
    %div3A_340 = vector.broadcast %div3A_339 : f32 to vector<64x1xf32>
    %div3A_341 = arith.divf %broadcast_in_dim3A_338, %div3A_340 : vector<64x1xf32>
    %add3A_342 = arith.constant 9.99999974E-6 : f32
    %add3A_343 = vector.broadcast %add3A_342 : f32 to vector<64x1xf32>
    %add3A_344 = arith.addf %div3A_341, %add3A_343 : vector<64x1xf32>
    %rsqrt3A_345 = math.rsqrt %add3A_344 : vector<64x1xf32>
    %mul3A_346 = vector.broadcast %rsqrt3A_345 : vector<64x1xf32> to vector<64x128xf32>
    %mul3A_347 = arith.mulf %sub3A_334, %mul3A_346 : vector<64x128xf32>
    %mul3A_348 = vector.broadcast %get3A_1 : vector<1x128xf32> to vector<64x128xf32>
    %mul3A_349 = arith.mulf %mul3A_347, %mul3A_348 : vector<64x128xf32>
    %add3A_350 = vector.broadcast %get3A_4 : vector<1x128xf32> to vector<64x128xf32>
    %add3A_351 = arith.addf %mul3A_349, %add3A_350 : vector<64x128xf32>
    %swap3A_352 = arith.constant 2392 : index
    %swap3A_353 = arith.constant 0 : index
    %swap3A_354 = vector.load %arg21[%swap3A_352, %swap3A_353] : memref<5184x128xf32, #tpu.memory_space<vmem>>, vector<64x128xf32>
    tpu.vector_store %arg21[%swap3A_352, %swap3A_353], %add3A_351 {strides = array<i32>} : memref<5184x128xf32, #tpu.memory_space<vmem>>, vector<64x128xf32>,
    %get3A_355 = arith.constant 0 : index
    %get3A_356 = arith.constant 0 : index
    %get3A_357 = vector.load %arg23[%get3A_355, %get3A_356] : memref<132x128xf32, #tpu.memory_space<vmem>>, vector<132x128xf32>
    %swap3A_358 = arith.constant 2456 : index
    %swap3A_359 = arith.constant 0 : index
    %swap3A_360 = vector.load %arg21[%swap3A_358, %swap3A_359] : memref<5184x128xf32, #tpu.memory_space<vmem>>, vector<132x128xf32>
    tpu.vector_store %arg21[%swap3A_358, %swap3A_359], %get3A_357 {strides = array<i32>} : memref<5184x128xf32, #tpu.memory_space<vmem>>, vector<132x128xf32>,
    %broadcast_in_dim3A_361 = arith.constant 0.000000e+00 : f32
    %broadcast_in_dim3A_362 = vector.broadcast %broadcast_in_dim3A_361 : f32 to vector<4x128xf32>
    %swap3A_363 = arith.constant 2588 : index
    %swap3A_364 = arith.constant 0 : index
    %swap3A_365 = vector.load %arg21[%swap3A_363, %swap3A_364] : memref<5184x128xf32, #tpu.memory_space<vmem>>, vector<4x128xf32>
    tpu.vector_store %arg21[%swap3A_363, %swap3A_364], %broadcast_in_dim3A_362 {strides = array<i32>} : memref<5184x128xf32, #tpu.memory_space<vmem>>, vector<4x128xf32>,
    %get3A_366 = arith.constant 0 : index
    %get3A_367 = arith.constant 0 : index
    %get3A_368 = vector.load %arg22[%get3A_366, %get3A_367] : memref<448x128xf32, #tpu.memory_space<vmem>>, vector<448x128xf32>
    %get3A_369 = arith.constant 4 : index
    %get3A_370 = arith.constant 0 : index
    %get3A_371 = arith.constant 0 : index
    %get3A_372 = vector.load %arg4[%get3A_369, %get3A_370, %get3A_371] : memref<8x1x128xf32, #tpu.memory_space<vmem>>, vector<1x1x128xf32>
    %get3A_373 = vector.shape_cast %get3A_372 : vector<1x1x128xf32> to vector<1x128xf32>
    %add3A_374 = vector.broadcast %get3A_373 : vector<1x128xf32> to vector<448x128xf32>
    %add3A_375 = arith.addf %get3A_368, %add3A_374 : vector<448x128xf32>
    %reduce_sum3A_376 = arith.constant dense<0.000000e+00> : vector<448xf32>
    %reduce_sum3A_377 = vector.multi_reduction <add>, %add3A_375, %reduce_sum3A_376 [1] : vector<448x128xf32> to vector<448xf32>
    %broadcast_in_dim3A_378 = vector.shape_cast %reduce_sum3A_377 : vector<448xf32> to vector<448x1xf32>
    %div3A_379 = arith.constant 1.280000e+02 : f32
    %div3A_380 = vector.broadcast %div3A_379 : f32 to vector<448x1xf32>
    %div3A_381 = arith.divf %broadcast_in_dim3A_378, %div3A_380 : vector<448x1xf32>
    %sub3A_382 = vector.broadcast %div3A_381 : vector<448x1xf32> to vector<448x128xf32>
    %sub3A_383 = arith.subf %add3A_375, %sub3A_382 : vector<448x128xf32>
    %mul3A_384 = arith.mulf %sub3A_383, %sub3A_383 : vector<448x128xf32>
    %reduce_sum3A_385 = arith.constant dense<0.000000e+00> : vector<448xf32>
    %reduce_sum3A_386 = vector.multi_reduction <add>, %mul3A_384, %reduce_sum3A_385 [1] : vector<448x128xf32> to vector<448xf32>
    %broadcast_in_dim3A_387 = vector.shape_cast %reduce_sum3A_386 : vector<448xf32> to vector<448x1xf32>
    %div3A_388 = arith.constant 1.280000e+02 : f32
    %div3A_389 = vector.broadcast %div3A_388 : f32 to vector<448x1xf32>
    %div3A_390 = arith.divf %broadcast_in_dim3A_387, %div3A_389 : vector<448x1xf32>
    %add3A_391 = arith.constant 9.99999974E-6 : f32
    %add3A_392 = vector.broadcast %add3A_391 : f32 to vector<448x1xf32>
    %add3A_393 = arith.addf %div3A_390, %add3A_392 : vector<448x1xf32>
    %rsqrt3A_394 = math.rsqrt %add3A_393 : vector<448x1xf32>
    %mul3A_395 = vector.broadcast %rsqrt3A_394 : vector<448x1xf32> to vector<448x128xf32>
    %mul3A_396 = arith.mulf %sub3A_383, %mul3A_395 : vector<448x128xf32>
    %mul3A_397 = vector.broadcast %get3A_1 : vector<1x128xf32> to vector<448x128xf32>
    %mul3A_398 = arith.mulf %mul3A_396, %mul3A_397 : vector<448x128xf32>
    %add3A_399 = vector.broadcast %get3A_4 : vector<1x128xf32> to vector<448x128xf32>
    %add3A_400 = arith.addf %mul3A_398, %add3A_399 : vector<448x128xf32>
    %swap3A_401 = arith.constant 2592 : index
    %swap3A_402 = arith.constant 0 : index
    %swap3A_403 = vector.load %arg21[%swap3A_401, %swap3A_402] : memref<5184x128xf32, #tpu.memory_space<vmem>>, vector<448x128xf32>
    tpu.vector_store %arg21[%swap3A_401, %swap3A_402], %add3A_400 {strides = array<i32>} : memref<5184x128xf32, #tpu.memory_space<vmem>>, vector<448x128xf32>,
    %get3A_404 = arith.constant 4 : index
    %get3A_405 = arith.constant 0 : index
    %get3A_406 = arith.constant 0 : index
    %get3A_407 = vector.load %arg16[%get3A_404, %get3A_405, %get3A_406] : memref<8x1x64xf32, #tpu.memory_space<vmem>>, vector<1x1x64xf32>
    %get3A_408 = vector.shape_cast %get3A_407 : vector<1x1x64xf32> to vector<1x64xf32>
    %get3A_409 = arith.constant 0 : index
    %get3A_410 = arith.constant 0 : index
    %get3A_411 = vector.load %arg17[%get3A_409, %get3A_410] : memref<1x128xf32, #tpu.memory_space<vmem>>, vector<1x128xf32>
    %dot_general3A_412 = arith.constant dense<0.000000e+00> : vector<64x128xf32>
    %dot_general3A_413 = tpu.matmul %get3A_408, %get3A_411, %dot_general3A_412 {dimension_numbers = #tpu.dot_dimension_numbers<[0], [0], [1], [1], [0, 1, 1, 1], [], []>, transpose_lhs_hint = false} : vector<1x64xf32>, vector<1x128xf32>, vector<64x128xf32> -> vector<64x128xf32>
    %get3A_414 = arith.constant 0 : index
    %get3A_415 = arith.constant 0 : index
    %get3A_416 = vector.load %arg18[%get3A_414, %get3A_415] : memref<1x128xf32, #tpu.memory_space<vmem>>, vector<1x128xf32>
    %add3A_417 = vector.broadcast %get3A_416 : vector<1x128xf32> to vector<64x128xf32>
    %add3A_418 = arith.addf %dot_general3A_413, %add3A_417 : vector<64x128xf32>
    %reduce_sum3A_419 = arith.constant dense<0.000000e+00> : vector<64xf32>
    %reduce_sum3A_420 = vector.multi_reduction <add>, %add3A_418, %reduce_sum3A_419 [1] : vector<64x128xf32> to vector<64xf32>
    %broadcast_in_dim3A_421 = vector.shape_cast %reduce_sum3A_420 : vector<64xf32> to vector<64x1xf32>
    %div3A_422 = arith.constant 1.280000e+02 : f32
    %div3A_423 = vector.broadcast %div3A_422 : f32 to vector<64x1xf32>
    %div3A_424 = arith.divf %broadcast_in_dim3A_421, %div3A_423 : vector<64x1xf32>
    %sub3A_425 = vector.broadcast %div3A_424 : vector<64x1xf32> to vector<64x128xf32>
    %sub3A_426 = arith.subf %add3A_418, %sub3A_425 : vector<64x128xf32>
    %mul3A_427 = arith.mulf %sub3A_426, %sub3A_426 : vector<64x128xf32>
    %reduce_sum3A_428 = arith.constant dense<0.000000e+00> : vector<64xf32>
    %reduce_sum3A_429 = vector.multi_reduction <add>, %mul3A_427, %reduce_sum3A_428 [1] : vector<64x128xf32> to vector<64xf32>
    %broadcast_in_dim3A_430 = vector.shape_cast %reduce_sum3A_429 : vector<64xf32> to vector<64x1xf32>
    %div3A_431 = arith.constant 1.280000e+02 : f32
    %div3A_432 = vector.broadcast %div3A_431 : f32 to vector<64x1xf32>
    %div3A_433 = arith.divf %broadcast_in_dim3A_430, %div3A_432 : vector<64x1xf32>
    %add3A_434 = arith.constant 9.99999974E-6 : f32
    %add3A_435 = vector.broadcast %add3A_434 : f32 to vector<64x1xf32>
    %add3A_436 = arith.addf %div3A_433, %add3A_435 : vector<64x1xf32>
    %rsqrt3A_437 = math.rsqrt %add3A_436 : vector<64x1xf32>
    %mul3A_438 = vector.broadcast %rsqrt3A_437 : vector<64x1xf32> to vector<64x128xf32>
    %mul3A_439 = arith.mulf %sub3A_426, %mul3A_438 : vector<64x128xf32>
    %mul3A_440 = vector.broadcast %get3A_1 : vector<1x128xf32> to vector<64x128xf32>
    %mul3A_441 = arith.mulf %mul3A_439, %mul3A_440 : vector<64x128xf32>
    %add3A_442 = vector.broadcast %get3A_4 : vector<1x128xf32> to vector<64x128xf32>
    %add3A_443 = arith.addf %mul3A_441, %add3A_442 : vector<64x128xf32>
    %swap3A_444 = arith.constant 3040 : index
    %swap3A_445 = arith.constant 0 : index
    %swap3A_446 = vector.load %arg21[%swap3A_444, %swap3A_445] : memref<5184x128xf32, #tpu.memory_space<vmem>>, vector<64x128xf32>
    tpu.vector_store %arg21[%swap3A_444, %swap3A_445], %add3A_443 {strides = array<i32>} : memref<5184x128xf32, #tpu.memory_space<vmem>>, vector<64x128xf32>,
    %get3A_447 = arith.constant 0 : index
    %get3A_448 = arith.constant 0 : index
    %get3A_449 = vector.load %arg23[%get3A_447, %get3A_448] : memref<132x128xf32, #tpu.memory_space<vmem>>, vector<132x128xf32>
    %swap3A_450 = arith.constant 3104 : index
    %swap3A_451 = arith.constant 0 : index
    %swap3A_452 = vector.load %arg21[%swap3A_450, %swap3A_451] : memref<5184x128xf32, #tpu.memory_space<vmem>>, vector<132x128xf32>
    tpu.vector_store %arg21[%swap3A_450, %swap3A_451], %get3A_449 {strides = array<i32>} : memref<5184x128xf32, #tpu.memory_space<vmem>>, vector<132x128xf32>,
    %broadcast_in_dim3A_453 = arith.constant 0.000000e+00 : f32
    %broadcast_in_dim3A_454 = vector.broadcast %broadcast_in_dim3A_453 : f32 to vector<4x128xf32>
    %swap3A_455 = arith.constant 3236 : index
    %swap3A_456 = arith.constant 0 : index
    %swap3A_457 = vector.load %arg21[%swap3A_455, %swap3A_456] : memref<5184x128xf32, #tpu.memory_space<vmem>>, vector<4x128xf32>
    tpu.vector_store %arg21[%swap3A_455, %swap3A_456], %broadcast_in_dim3A_454 {strides = array<i32>} : memref<5184x128xf32, #tpu.memory_space<vmem>>, vector<4x128xf32>,
    %get3A_458 = arith.constant 0 : index
    %get3A_459 = arith.constant 0 : index
    %get3A_460 = vector.load %arg22[%get3A_458, %get3A_459] : memref<448x128xf32, #tpu.memory_space<vmem>>, vector<448x128xf32>
    %get3A_461 = arith.constant 5 : index
    %get3A_462 = arith.constant 0 : index
    %get3A_463 = arith.constant 0 : index
    %get3A_464 = vector.load %arg4[%get3A_461, %get3A_462, %get3A_463] : memref<8x1x128xf32, #tpu.memory_space<vmem>>, vector<1x1x128xf32>
    %get3A_465 = vector.shape_cast %get3A_464 : vector<1x1x128xf32> to vector<1x128xf32>
    %add3A_466 = vector.broadcast %get3A_465 : vector<1x128xf32> to vector<448x128xf32>
    %add3A_467 = arith.addf %get3A_460, %add3A_466 : vector<448x128xf32>
    %reduce_sum3A_468 = arith.constant dense<0.000000e+00> : vector<448xf32>
    %reduce_sum3A_469 = vector.multi_reduction <add>, %add3A_467, %reduce_sum3A_468 [1] : vector<448x128xf32> to vector<448xf32>
    %broadcast_in_dim3A_470 = vector.shape_cast %reduce_sum3A_469 : vector<448xf32> to vector<448x1xf32>
    %div3A_471 = arith.constant 1.280000e+02 : f32
    %div3A_472 = vector.broadcast %div3A_471 : f32 to vector<448x1xf32>
    %div3A_473 = arith.divf %broadcast_in_dim3A_470, %div3A_472 : vector<448x1xf32>
    %sub3A_474 = vector.broadcast %div3A_473 : vector<448x1xf32> to vector<448x128xf32>
    %sub3A_475 = arith.subf %add3A_467, %sub3A_474 : vector<448x128xf32>
    %mul3A_476 = arith.mulf %sub3A_475, %sub3A_475 : vector<448x128xf32>
    %reduce_sum3A_477 = arith.constant dense<0.000000e+00> : vector<448xf32>
    %reduce_sum3A_478 = vector.multi_reduction <add>, %mul3A_476, %reduce_sum3A_477 [1] : vector<448x128xf32> to vector<448xf32>
    %broadcast_in_dim3A_479 = vector.shape_cast %reduce_sum3A_478 : vector<448xf32> to vector<448x1xf32>
    %div3A_480 = arith.constant 1.280000e+02 : f32
    %div3A_481 = vector.broadcast %div3A_480 : f32 to vector<448x1xf32>
    %div3A_482 = arith.divf %broadcast_in_dim3A_479, %div3A_481 : vector<448x1xf32>
    %add3A_483 = arith.constant 9.99999974E-6 : f32
    %add3A_484 = vector.broadcast %add3A_483 : f32 to vector<448x1xf32>
    %add3A_485 = arith.addf %div3A_482, %add3A_484 : vector<448x1xf32>
    %rsqrt3A_486 = math.rsqrt %add3A_485 : vector<448x1xf32>
    %mul3A_487 = vector.broadcast %rsqrt3A_486 : vector<448x1xf32> to vector<448x128xf32>
    %mul3A_488 = arith.mulf %sub3A_475, %mul3A_487 : vector<448x128xf32>
    %mul3A_489 = vector.broadcast %get3A_1 : vector<1x128xf32> to vector<448x128xf32>
    %mul3A_490 = arith.mulf %mul3A_488, %mul3A_489 : vector<448x128xf32>
    %add3A_491 = vector.broadcast %get3A_4 : vector<1x128xf32> to vector<448x128xf32>
    %add3A_492 = arith.addf %mul3A_490, %add3A_491 : vector<448x128xf32>
    %swap3A_493 = arith.constant 3240 : index
    %swap3A_494 = arith.constant 0 : index
    %swap3A_495 = vector.load %arg21[%swap3A_493, %swap3A_494] : memref<5184x128xf32, #tpu.memory_space<vmem>>, vector<448x128xf32>
    tpu.vector_store %arg21[%swap3A_493, %swap3A_494], %add3A_492 {strides = array<i32>} : memref<5184x128xf32, #tpu.memory_space<vmem>>, vector<448x128xf32>,
    %get3A_496 = arith.constant 5 : index
    %get3A_497 = arith.constant 0 : index
    %get3A_498 = arith.constant 0 : index
    %get3A_499 = vector.load %arg16[%get3A_496, %get3A_497, %get3A_498] : memref<8x1x64xf32, #tpu.memory_space<vmem>>, vector<1x1x64xf32>
    %get3A_500 = vector.shape_cast %get3A_499 : vector<1x1x64xf32> to vector<1x64xf32>
    %get3A_501 = arith.constant 0 : index
    %get3A_502 = arith.constant 0 : index
    %get3A_503 = vector.load %arg17[%get3A_501, %get3A_502] : memref<1x128xf32, #tpu.memory_space<vmem>>, vector<1x128xf32>
    %dot_general3A_504 = arith.constant dense<0.000000e+00> : vector<64x128xf32>
    %dot_general3A_505 = tpu.matmul %get3A_500, %get3A_503, %dot_general3A_504 {dimension_numbers = #tpu.dot_dimension_numbers<[0], [0], [1], [1], [0, 1, 1, 1], [], []>, transpose_lhs_hint = false} : vector<1x64xf32>, vector<1x128xf32>, vector<64x128xf32> -> vector<64x128xf32>
    %get3A_506 = arith.constant 0 : index
    %get3A_507 = arith.constant 0 : index
    %get3A_508 = vector.load %arg18[%get3A_506, %get3A_507] : memref<1x128xf32, #tpu.memory_space<vmem>>, vector<1x128xf32>
    %add3A_509 = vector.broadcast %get3A_508 : vector<1x128xf32> to vector<64x128xf32>
    %add3A_510 = arith.addf %dot_general3A_505, %add3A_509 : vector<64x128xf32>
    %reduce_sum3A_511 = arith.constant dense<0.000000e+00> : vector<64xf32>
    %reduce_sum3A_512 = vector.multi_reduction <add>, %add3A_510, %reduce_sum3A_511 [1] : vector<64x128xf32> to vector<64xf32>
    %broadcast_in_dim3A_513 = vector.shape_cast %reduce_sum3A_512 : vector<64xf32> to vector<64x1xf32>
    %div3A_514 = arith.constant 1.280000e+02 : f32
    %div3A_515 = vector.broadcast %div3A_514 : f32 to vector<64x1xf32>
    %div3A_516 = arith.divf %broadcast_in_dim3A_513, %div3A_515 : vector<64x1xf32>
    %sub3A_517 = vector.broadcast %div3A_516 : vector<64x1xf32> to vector<64x128xf32>
    %sub3A_518 = arith.subf %add3A_510, %sub3A_517 : vector<64x128xf32>
    %mul3A_519 = arith.mulf %sub3A_518, %sub3A_518 : vector<64x128xf32>
    %reduce_sum3A_520 = arith.constant dense<0.000000e+00> : vector<64xf32>
    %reduce_sum3A_521 = vector.multi_reduction <add>, %mul3A_519, %reduce_sum3A_520 [1] : vector<64x128xf32> to vector<64xf32>
    %broadcast_in_dim3A_522 = vector.shape_cast %reduce_sum3A_521 : vector<64xf32> to vector<64x1xf32>
    %div3A_523 = arith.constant 1.280000e+02 : f32
    %div3A_524 = vector.broadcast %div3A_523 : f32 to vector<64x1xf32>
    %div3A_525 = arith.divf %broadcast_in_dim3A_522, %div3A_524 : vector<64x1xf32>
    %add3A_526 = arith.constant 9.99999974E-6 : f32
    %add3A_527 = vector.broadcast %add3A_526 : f32 to vector<64x1xf32>
    %add3A_528 = arith.addf %div3A_525, %add3A_527 : vector<64x1xf32>
    %rsqrt3A_529 = math.rsqrt %add3A_528 : vector<64x1xf32>
    %mul3A_530 = vector.broadcast %rsqrt3A_529 : vector<64x1xf32> to vector<64x128xf32>
    %mul3A_531 = arith.mulf %sub3A_518, %mul3A_530 : vector<64x128xf32>
    %mul3A_532 = vector.broadcast %get3A_1 : vector<1x128xf32> to vector<64x128xf32>
    %mul3A_533 = arith.mulf %mul3A_531, %mul3A_532 : vector<64x128xf32>
    %add3A_534 = vector.broadcast %get3A_4 : vector<1x128xf32> to vector<64x128xf32>
    %add3A_535 = arith.addf %mul3A_533, %add3A_534 : vector<64x128xf32>
    %swap3A_536 = arith.constant 3688 : index
    %swap3A_537 = arith.constant 0 : index
    %swap3A_538 = vector.load %arg21[%swap3A_536, %swap3A_537] : memref<5184x128xf32, #tpu.memory_space<vmem>>, vector<64x128xf32>
    tpu.vector_store %arg21[%swap3A_536, %swap3A_537], %add3A_535 {strides = array<i32>} : memref<5184x128xf32, #tpu.memory_space<vmem>>, vector<64x128xf32>,
    %get3A_539 = arith.constant 0 : index
    %get3A_540 = arith.constant 0 : index
    %get3A_541 = vector.load %arg23[%get3A_539, %get3A_540] : memref<132x128xf32, #tpu.memory_space<vmem>>, vector<132x128xf32>
    %swap3A_542 = arith.constant 3752 : index
    %swap3A_543 = arith.constant 0 : index
    %swap3A_544 = vector.load %arg21[%swap3A_542, %swap3A_543] : memref<5184x128xf32, #tpu.memory_space<vmem>>, vector<132x128xf32>
    tpu.vector_store %arg21[%swap3A_542, %swap3A_543], %get3A_541 {strides = array<i32>} : memref<5184x128xf32, #tpu.memory_space<vmem>>, vector<132x128xf32>,
    %broadcast_in_dim3A_545 = arith.constant 0.000000e+00 : f32
    %broadcast_in_dim3A_546 = vector.broadcast %broadcast_in_dim3A_545 : f32 to vector<4x128xf32>
    %swap3A_547 = arith.constant 3884 : index
    %swap3A_548 = arith.constant 0 : index
    %swap3A_549 = vector.load %arg21[%swap3A_547, %swap3A_548] : memref<5184x128xf32, #tpu.memory_space<vmem>>, vector<4x128xf32>
    tpu.vector_store %arg21[%swap3A_547, %swap3A_548], %broadcast_in_dim3A_546 {strides = array<i32>} : memref<5184x128xf32, #tpu.memory_space<vmem>>, vector<4x128xf32>,
    %get3A_550 = arith.constant 0 : index
    %get3A_551 = arith.constant 0 : index
    %get3A_552 = vector.load %arg22[%get3A_550, %get3A_551] : memref<448x128xf32, #tpu.memory_space<vmem>>, vector<448x128xf32>
    %get3A_553 = arith.constant 6 : index
    %get3A_554 = arith.constant 0 : index
    %get3A_555 = arith.constant 0 : index
    %get3A_556 = vector.load %arg4[%get3A_553, %get3A_554, %get3A_555] : memref<8x1x128xf32, #tpu.memory_space<vmem>>, vector<1x1x128xf32>
    %get3A_557 = vector.shape_cast %get3A_556 : vector<1x1x128xf32> to vector<1x128xf32>
    %add3A_558 = vector.broadcast %get3A_557 : vector<1x128xf32> to vector<448x128xf32>
    %add3A_559 = arith.addf %get3A_552, %add3A_558 : vector<448x128xf32>
    %reduce_sum3A_560 = arith.constant dense<0.000000e+00> : vector<448xf32>
    %reduce_sum3A_561 = vector.multi_reduction <add>, %add3A_559, %reduce_sum3A_560 [1] : vector<448x128xf32> to vector<448xf32>
    %broadcast_in_dim3A_562 = vector.shape_cast %reduce_sum3A_561 : vector<448xf32> to vector<448x1xf32>
    %div3A_563 = arith.constant 1.280000e+02 : f32
    %div3A_564 = vector.broadcast %div3A_563 : f32 to vector<448x1xf32>
    %div3A_565 = arith.divf %broadcast_in_dim3A_562, %div3A_564 : vector<448x1xf32>
    %sub3A_566 = vector.broadcast %div3A_565 : vector<448x1xf32> to vector<448x128xf32>
    %sub3A_567 = arith.subf %add3A_559, %sub3A_566 : vector<448x128xf32>
    %mul3A_568 = arith.mulf %sub3A_567, %sub3A_567 : vector<448x128xf32>
    %reduce_sum3A_569 = arith.constant dense<0.000000e+00> : vector<448xf32>
    %reduce_sum3A_570 = vector.multi_reduction <add>, %mul3A_568, %reduce_sum3A_569 [1] : vector<448x128xf32> to vector<448xf32>
    %broadcast_in_dim3A_571 = vector.shape_cast %reduce_sum3A_570 : vector<448xf32> to vector<448x1xf32>
    %div3A_572 = arith.constant 1.280000e+02 : f32
    %div3A_573 = vector.broadcast %div3A_572 : f32 to vector<448x1xf32>
    %div3A_574 = arith.divf %broadcast_in_dim3A_571, %div3A_573 : vector<448x1xf32>
    %add3A_575 = arith.constant 9.99999974E-6 : f32
    %add3A_576 = vector.broadcast %add3A_575 : f32 to vector<448x1xf32>
    %add3A_577 = arith.addf %div3A_574, %add3A_576 : vector<448x1xf32>
    %rsqrt3A_578 = math.rsqrt %add3A_577 : vector<448x1xf32>
    %mul3A_579 = vector.broadcast %rsqrt3A_578 : vector<448x1xf32> to vector<448x128xf32>
    %mul3A_580 = arith.mulf %sub3A_567, %mul3A_579 : vector<448x128xf32>
    %mul3A_581 = vector.broadcast %get3A_1 : vector<1x128xf32> to vector<448x128xf32>
    %mul3A_582 = arith.mulf %mul3A_580, %mul3A_581 : vector<448x128xf32>
    %add3A_583 = vector.broadcast %get3A_4 : vector<1x128xf32> to vector<448x128xf32>
    %add3A_584 = arith.addf %mul3A_582, %add3A_583 : vector<448x128xf32>
    %swap3A_585 = arith.constant 3888 : index
    %swap3A_586 = arith.constant 0 : index
    %swap3A_587 = vector.load %arg21[%swap3A_585, %swap3A_586] : memref<5184x128xf32, #tpu.memory_space<vmem>>, vector<448x128xf32>
    tpu.vector_store %arg21[%swap3A_585, %swap3A_586], %add3A_584 {strides = array<i32>} : memref<5184x128xf32, #tpu.memory_space<vmem>>, vector<448x128xf32>,
    %get3A_588 = arith.constant 6 : index
    %get3A_589 = arith.constant 0 : index
    %get3A_590 = arith.constant 0 : index
    %get3A_591 = vector.load %arg16[%get3A_588, %get3A_589, %get3A_590] : memref<8x1x64xf32, #tpu.memory_space<vmem>>, vector<1x1x64xf32>
    %get3A_592 = vector.shape_cast %get3A_591 : vector<1x1x64xf32> to vector<1x64xf32>
    %get3A_593 = arith.constant 0 : index
    %get3A_594 = arith.constant 0 : index
    %get3A_595 = vector.load %arg17[%get3A_593, %get3A_594] : memref<1x128xf32, #tpu.memory_space<vmem>>, vector<1x128xf32>
    %dot_general3A_596 = arith.constant dense<0.000000e+00> : vector<64x128xf32>
    %dot_general3A_597 = tpu.matmul %get3A_592, %get3A_595, %dot_general3A_596 {dimension_numbers = #tpu.dot_dimension_numbers<[0], [0], [1], [1], [0, 1, 1, 1], [], []>, transpose_lhs_hint = false} : vector<1x64xf32>, vector<1x128xf32>, vector<64x128xf32> -> vector<64x128xf32>
    %get3A_598 = arith.constant 0 : index
    %get3A_599 = arith.constant 0 : index
    %get3A_600 = vector.load %arg18[%get3A_598, %get3A_599] : memref<1x128xf32, #tpu.memory_space<vmem>>, vector<1x128xf32>
    %add3A_601 = vector.broadcast %get3A_600 : vector<1x128xf32> to vector<64x128xf32>
    %add3A_602 = arith.addf %dot_general3A_597, %add3A_601 : vector<64x128xf32>
    %reduce_sum3A_603 = arith.constant dense<0.000000e+00> : vector<64xf32>
    %reduce_sum3A_604 = vector.multi_reduction <add>, %add3A_602, %reduce_sum3A_603 [1] : vector<64x128xf32> to vector<64xf32>
    %broadcast_in_dim3A_605 = vector.shape_cast %reduce_sum3A_604 : vector<64xf32> to vector<64x1xf32>
    %div3A_606 = arith.constant 1.280000e+02 : f32
    %div3A_607 = vector.broadcast %div3A_606 : f32 to vector<64x1xf32>
    %div3A_608 = arith.divf %broadcast_in_dim3A_605, %div3A_607 : vector<64x1xf32>
    %sub3A_609 = vector.broadcast %div3A_608 : vector<64x1xf32> to vector<64x128xf32>
    %sub3A_610 = arith.subf %add3A_602, %sub3A_609 : vector<64x128xf32>
    %mul3A_611 = arith.mulf %sub3A_610, %sub3A_610 : vector<64x128xf32>
    %reduce_sum3A_612 = arith.constant dense<0.000000e+00> : vector<64xf32>
    %reduce_sum3A_613 = vector.multi_reduction <add>, %mul3A_611, %reduce_sum3A_612 [1] : vector<64x128xf32> to vector<64xf32>
    %broadcast_in_dim3A_614 = vector.shape_cast %reduce_sum3A_613 : vector<64xf32> to vector<64x1xf32>
    %div3A_615 = arith.constant 1.280000e+02 : f32
    %div3A_616 = vector.broadcast %div3A_615 : f32 to vector<64x1xf32>
    %div3A_617 = arith.divf %broadcast_in_dim3A_614, %div3A_616 : vector<64x1xf32>
    %add3A_618 = arith.constant 9.99999974E-6 : f32
    %add3A_619 = vector.broadcast %add3A_618 : f32 to vector<64x1xf32>
    %add3A_620 = arith.addf %div3A_617, %add3A_619 : vector<64x1xf32>
    %rsqrt3A_621 = math.rsqrt %add3A_620 : vector<64x1xf32>
    %mul3A_622 = vector.broadcast %rsqrt3A_621 : vector<64x1xf32> to vector<64x128xf32>
    %mul3A_623 = arith.mulf %sub3A_610, %mul3A_622 : vector<64x128xf32>
    %mul3A_624 = vector.broadcast %get3A_1 : vector<1x128xf32> to vector<64x128xf32>
    %mul3A_625 = arith.mulf %mul3A_623, %mul3A_624 : vector<64x128xf32>
    %add3A_626 = vector.broadcast %get3A_4 : vector<1x128xf32> to vector<64x128xf32>
    %add3A_627 = arith.addf %mul3A_625, %add3A_626 : vector<64x128xf32>
    %swap3A_628 = arith.constant 4336 : index
    %swap3A_629 = arith.constant 0 : index
    %swap3A_630 = vector.load %arg21[%swap3A_628, %swap3A_629] : memref<5184x128xf32, #tpu.memory_space<vmem>>, vector<64x128xf32>
    tpu.vector_store %arg21[%swap3A_628, %swap3A_629], %add3A_627 {strides = array<i32>} : memref<5184x128xf32, #tpu.memory_space<vmem>>, vector<64x128xf32>,
    %get3A_631 = arith.constant 0 : index
    %get3A_632 = arith.constant 0 : index
    %get3A_633 = vector.load %arg23[%get3A_631, %get3A_632] : memref<132x128xf32, #tpu.memory_space<vmem>>, vector<132x128xf32>
    %swap3A_634 = arith.constant 4400 : index
    %swap3A_635 = arith.constant 0 : index
    %swap3A_636 = vector.load %arg21[%swap3A_634, %swap3A_635] : memref<5184x128xf32, #tpu.memory_space<vmem>>, vector<132x128xf32>
    tpu.vector_store %arg21[%swap3A_634, %swap3A_635], %get3A_633 {strides = array<i32>} : memref<5184x128xf32, #tpu.memory_space<vmem>>, vector<132x128xf32>,
    %broadcast_in_dim3A_637 = arith.constant 0.000000e+00 : f32
    %broadcast_in_dim3A_638 = vector.broadcast %broadcast_in_dim3A_637 : f32 to vector<4x128xf32>
    %swap3A_639 = arith.constant 4532 : index
    %swap3A_640 = arith.constant 0 : index
    %swap3A_641 = vector.load %arg21[%swap3A_639, %swap3A_640] : memref<5184x128xf32, #tpu.memory_space<vmem>>, vector<4x128xf32>
    tpu.vector_store %arg21[%swap3A_639, %swap3A_640], %broadcast_in_dim3A_638 {strides = array<i32>} : memref<5184x128xf32, #tpu.memory_space<vmem>>, vector<4x128xf32>,
    %get3A_642 = arith.constant 0 : index
    %get3A_643 = arith.constant 0 : index
    %get3A_644 = vector.load %arg22[%get3A_642, %get3A_643] : memref<448x128xf32, #tpu.memory_space<vmem>>, vector<448x128xf32>
    %get3A_645 = arith.constant 7 : index
    %get3A_646 = arith.constant 0 : index
    %get3A_647 = arith.constant 0 : index
    %get3A_648 = vector.load %arg4[%get3A_645, %get3A_646, %get3A_647] : memref<8x1x128xf32, #tpu.memory_space<vmem>>, vector<1x1x128xf32>
    %get3A_649 = vector.shape_cast %get3A_648 : vector<1x1x128xf32> to vector<1x128xf32>
    %add3A_650 = vector.broadcast %get3A_649 : vector<1x128xf32> to vector<448x128xf32>
    %add3A_651 = arith.addf %get3A_644, %add3A_650 : vector<448x128xf32>
    %reduce_sum3A_652 = arith.constant dense<0.000000e+00> : vector<448xf32>
    %reduce_sum3A_653 = vector.multi_reduction <add>, %add3A_651, %reduce_sum3A_652 [1] : vector<448x128xf32> to vector<448xf32>
    %broadcast_in_dim3A_654 = vector.shape_cast %reduce_sum3A_653 : vector<448xf32> to vector<448x1xf32>
    %div3A_655 = arith.constant 1.280000e+02 : f32
    %div3A_656 = vector.broadcast %div3A_655 : f32 to vector<448x1xf32>
    %div3A_657 = arith.divf %broadcast_in_dim3A_654, %div3A_656 : vector<448x1xf32>
    %sub3A_658 = vector.broadcast %div3A_657 : vector<448x1xf32> to vector<448x128xf32>
    %sub3A_659 = arith.subf %add3A_651, %sub3A_658 : vector<448x128xf32>
    %mul3A_660 = arith.mulf %sub3A_659, %sub3A_659 : vector<448x128xf32>
    %reduce_sum3A_661 = arith.constant dense<0.000000e+00> : vector<448xf32>
    %reduce_sum3A_662 = vector.multi_reduction <add>, %mul3A_660, %reduce_sum3A_661 [1] : vector<448x128xf32> to vector<448xf32>
    %broadcast_in_dim3A_663 = vector.shape_cast %reduce_sum3A_662 : vector<448xf32> to vector<448x1xf32>
    %div3A_664 = arith.constant 1.280000e+02 : f32
    %div3A_665 = vector.broadcast %div3A_664 : f32 to vector<448x1xf32>
    %div3A_666 = arith.divf %broadcast_in_dim3A_663, %div3A_665 : vector<448x1xf32>
    %add3A_667 = arith.constant 9.99999974E-6 : f32
    %add3A_668 = vector.broadcast %add3A_667 : f32 to vector<448x1xf32>
    %add3A_669 = arith.addf %div3A_666, %add3A_668 : vector<448x1xf32>
    %rsqrt3A_670 = math.rsqrt %add3A_669 : vector<448x1xf32>
    %mul3A_671 = vector.broadcast %rsqrt3A_670 : vector<448x1xf32> to vector<448x128xf32>
    %mul3A_672 = arith.mulf %sub3A_659, %mul3A_671 : vector<448x128xf32>
    %mul3A_673 = vector.broadcast %get3A_1 : vector<1x128xf32> to vector<448x128xf32>
    %mul3A_674 = arith.mulf %mul3A_672, %mul3A_673 : vector<448x128xf32>
    %add3A_675 = vector.broadcast %get3A_4 : vector<1x128xf32> to vector<448x128xf32>
    %add3A_676 = arith.addf %mul3A_674, %add3A_675 : vector<448x128xf32>
    %swap3A_677 = arith.constant 4536 : index
    %swap3A_678 = arith.constant 0 : index
    %swap3A_679 = vector.load %arg21[%swap3A_677, %swap3A_678] : memref<5184x128xf32, #tpu.memory_space<vmem>>, vector<448x128xf32>
    tpu.vector_store %arg21[%swap3A_677, %swap3A_678], %add3A_676 {strides = array<i32>} : memref<5184x128xf32, #tpu.memory_space<vmem>>, vector<448x128xf32>,
    %get3A_680 = arith.constant 7 : index
    %get3A_681 = arith.constant 0 : index
    %get3A_682 = arith.constant 0 : index
    %get3A_683 = vector.load %arg16[%get3A_680, %get3A_681, %get3A_682] : memref<8x1x64xf32, #tpu.memory_space<vmem>>, vector<1x1x64xf32>
    %get3A_684 = vector.shape_cast %get3A_683 : vector<1x1x64xf32> to vector<1x64xf32>
    %get3A_685 = arith.constant 0 : index
    %get3A_686 = arith.constant 0 : index
    %get3A_687 = vector.load %arg17[%get3A_685, %get3A_686] : memref<1x128xf32, #tpu.memory_space<vmem>>, vector<1x128xf32>
    %dot_general3A_688 = arith.constant dense<0.000000e+00> : vector<64x128xf32>
    %dot_general3A_689 = tpu.matmul %get3A_684, %get3A_687, %dot_general3A_688 {dimension_numbers = #tpu.dot_dimension_numbers<[0], [0], [1], [1], [0, 1, 1, 1], [], []>, transpose_lhs_hint = false} : vector<1x64xf32>, vector<1x128xf32>, vector<64x128xf32> -> vector<64x128xf32>
    %get3A_690 = arith.constant 0 : index
    %get3A_691 = arith.constant 0 : index
    %get3A_692 = vector.load %arg18[%get3A_690, %get3A_691] : memref<1x128xf32, #tpu.memory_space<vmem>>, vector<1x128xf32>
    %add3A_693 = vector.broadcast %get3A_692 : vector<1x128xf32> to vector<64x128xf32>
    %add3A_694 = arith.addf %dot_general3A_689, %add3A_693 : vector<64x128xf32>
    %reduce_sum3A_695 = arith.constant dense<0.000000e+00> : vector<64xf32>
    %reduce_sum3A_696 = vector.multi_reduction <add>, %add3A_694, %reduce_sum3A_695 [1] : vector<64x128xf32> to vector<64xf32>
    %broadcast_in_dim3A_697 = vector.shape_cast %reduce_sum3A_696 : vector<64xf32> to vector<64x1xf32>
    %div3A_698 = arith.constant 1.280000e+02 : f32
    %div3A_699 = vector.broadcast %div3A_698 : f32 to vector<64x1xf32>
    %div3A_700 = arith.divf %broadcast_in_dim3A_697, %div3A_699 : vector<64x1xf32>
    %sub3A_701 = vector.broadcast %div3A_700 : vector<64x1xf32> to vector<64x128xf32>
    %sub3A_702 = arith.subf %add3A_694, %sub3A_701 : vector<64x128xf32>
    %mul3A_703 = arith.mulf %sub3A_702, %sub3A_702 : vector<64x128xf32>
    %reduce_sum3A_704 = arith.constant dense<0.000000e+00> : vector<64xf32>
    %reduce_sum3A_705 = vector.multi_reduction <add>, %mul3A_703, %reduce_sum3A_704 [1] : vector<64x128xf32> to vector<64xf32>
    %broadcast_in_dim3A_706 = vector.shape_cast %reduce_sum3A_705 : vector<64xf32> to vector<64x1xf32>
    %div3A_707 = arith.constant 1.280000e+02 : f32
    %div3A_708 = vector.broadcast %div3A_707 : f32 to vector<64x1xf32>
    %div3A_709 = arith.divf %broadcast_in_dim3A_706, %div3A_708 : vector<64x1xf32>
    %add3A_710 = arith.constant 9.99999974E-6 : f32
    %add3A_711 = vector.broadcast %add3A_710 : f32 to vector<64x1xf32>
    %add3A_712 = arith.addf %div3A_709, %add3A_711 : vector<64x1xf32>
    %rsqrt3A_713 = math.rsqrt %add3A_712 : vector<64x1xf32>
    %mul3A_714 = vector.broadcast %rsqrt3A_713 : vector<64x1xf32> to vector<64x128xf32>
    %mul3A_715 = arith.mulf %sub3A_702, %mul3A_714 : vector<64x128xf32>
    %mul3A_716 = vector.broadcast %get3A_1 : vector<1x128xf32> to vector<64x128xf32>
    %mul3A_717 = arith.mulf %mul3A_715, %mul3A_716 : vector<64x128xf32>
    %add3A_718 = vector.broadcast %get3A_4 : vector<1x128xf32> to vector<64x128xf32>
    %add3A_719 = arith.addf %mul3A_717, %add3A_718 : vector<64x128xf32>
    %swap3A_720 = arith.constant 4984 : index
    %swap3A_721 = arith.constant 0 : index
    %swap3A_722 = vector.load %arg21[%swap3A_720, %swap3A_721] : memref<5184x128xf32, #tpu.memory_space<vmem>>, vector<64x128xf32>
    tpu.vector_store %arg21[%swap3A_720, %swap3A_721], %add3A_719 {strides = array<i32>} : memref<5184x128xf32, #tpu.memory_space<vmem>>, vector<64x128xf32>,
    %get3A_723 = arith.constant 0 : index
    %get3A_724 = arith.constant 0 : index
    %get3A_725 = vector.load %arg23[%get3A_723, %get3A_724] : memref<132x128xf32, #tpu.memory_space<vmem>>, vector<132x128xf32>
    %swap3A_726 = arith.constant 5048 : index
    %swap3A_727 = arith.constant 0 : index
    %swap3A_728 = vector.load %arg21[%swap3A_726, %swap3A_727] : memref<5184x128xf32, #tpu.memory_space<vmem>>, vector<132x128xf32>
    tpu.vector_store %arg21[%swap3A_726, %swap3A_727], %get3A_725 {strides = array<i32>} : memref<5184x128xf32, #tpu.memory_space<vmem>>, vector<132x128xf32>,
    %broadcast_in_dim3A_729 = arith.constant 0.000000e+00 : f32
    %broadcast_in_dim3A_730 = vector.broadcast %broadcast_in_dim3A_729 : f32 to vector<4x128xf32>
    %swap3A_731 = arith.constant 5180 : index
    %swap3A_732 = arith.constant 0 : index
    %swap3A_733 = vector.load %arg21[%swap3A_731, %swap3A_732] : memref<5184x128xf32, #tpu.memory_space<vmem>>, vector<4x128xf32>
    tpu.vector_store %arg21[%swap3A_731, %swap3A_732], %broadcast_in_dim3A_730 {strides = array<i32>} : memref<5184x128xf32, #tpu.memory_space<vmem>>, vector<4x128xf32>,
    return
  }
  func.func @transform_0(%arg0: i32) -> (i32, i32) {
    %c0_i32 = arith.constant 0 : i32
    %c0_i32_0 = arith.constant 0 : i32
    %c0_i32_1 = arith.constant 0 : i32
    return %c0_i32, %c0_i32_0 : i32, i32
  }
  func.func @transform_1(%arg0: i32) -> (i32, i32, i32) {
    %c0_i32 = arith.constant 0 : i32
    %c0_i32_0 = arith.constant 0 : i32
    %c0_i32_1 = arith.constant 0 : i32
    %c0_i32_2 = arith.constant 0 : i32
    return %c0_i32, %c0_i32_0, %c0_i32_1 : i32, i32, i32
  }
  func.func @transform_2(%arg0: i32) -> (i32, i32) {
    %c0_i32 = arith.constant 0 : i32
    %c0_i32_0 = arith.constant 0 : i32
    %c0_i32_1 = arith.constant 0 : i32
    return %c0_i32, %c0_i32_0 : i32, i32
  }
  func.func @transform_3(%arg0: i32) -> (i32, i32, i32) {
    %c0_i32 = arith.constant 0 : i32
    %c0_i32_0 = arith.constant 0 : i32
    %c0_i32_1 = arith.constant 0 : i32
    return %arg0, %c0_i32, %c0_i32_0 : i32, i32, i32
  }
  func.func @transform_4(%arg0: i32) -> (i32, i32) {
    %c0_i32 = arith.constant 0 : i32
    %c0_i32_0 = arith.constant 0 : i32
    %c0_i32_1 = arith.constant 0 : i32
    return %c0_i32, %c0_i32_0 : i32, i32
  }
  func.func @transform_5(%arg0: i32) -> (i32, i32) {
    %c0_i32 = arith.constant 0 : i32
    %c0_i32_0 = arith.constant 0 : i32
    %c0_i32_1 = arith.constant 0 : i32
    return %c0_i32, %c0_i32_0 : i32, i32
  }
  func.func @transform_6(%arg0: i32) -> (i32, i32) {
    %c0_i32 = arith.constant 0 : i32
    %c0_i32_0 = arith.constant 0 : i32
    %c0_i32_1 = arith.constant 0 : i32
    return %c0_i32, %c0_i32_0 : i32, i32
  }
  func.func @transform_7(%arg0: i32) -> (i32, i32) {
    %c0_i32 = arith.constant 0 : i32
    %c0_i32_0 = arith.constant 0 : i32
    %c0_i32_1 = arith.constant 0 : i32
    return %c0_i32, %c0_i32_0 : i32, i32
  }
  func.func @transform_8(%arg0: i32) -> (i32, i32) {
    %c0_i32 = arith.constant 0 : i32
    %c0_i32_0 = arith.constant 0 : i32
    %c0_i32_1 = arith.constant 0 : i32
    return %c0_i32, %c0_i32_0 : i32, i32
  }
  func.func @transform_9(%arg0: i32) -> (i32, i32) {
    %c0_i32 = arith.constant 0 : i32
    %c0_i32_0 = arith.constant 0 : i32
    %c0_i32_1 = arith.constant 0 : i32
    return %c0_i32, %c0_i32_0 : i32, i32
  }
  func.func @transform_10(%arg0: i32) -> (i32, i32) {
    %c0_i32 = arith.constant 0 : i32
    %c0_i32_0 = arith.constant 0 : i32
    %c0_i32_1 = arith.constant 0 : i32
    return %c0_i32, %c0_i32_0 : i32, i32
  }
  func.func @transform_11(%arg0: i32) -> (i32, i32) {
    %c0_i32 = arith.constant 0 : i32
    %c0_i32_0 = arith.constant 0 : i32
    %c0_i32_1 = arith.constant 0 : i32
    return %c0_i32, %c0_i32_0 : i32, i32
  }
  func.func @transform_12(%arg0: i32) -> (i32, i32) {
    %c0_i32 = arith.constant 0 : i32
    %c0_i32_0 = arith.constant 0 : i32
    %c0_i32_1 = arith.constant 0 : i32
    return %c0_i32, %c0_i32_0 : i32, i32
  }
  func.func @transform_13(%arg0: i32) -> (i32, i32) {
    %c0_i32 = arith.constant 0 : i32
    %c0_i32_0 = arith.constant 0 : i32
    %c0_i32_1 = arith.constant 0 : i32
    return %c0_i32, %c0_i32_0 : i32, i32
  }
  func.func @transform_14(%arg0: i32) -> (i32, i32) {
    %c0_i32 = arith.constant 0 : i32
    %c0_i32_0 = arith.constant 0 : i32
    %c0_i32_1 = arith.constant 0 : i32
    return %c0_i32, %c0_i32_0 : i32, i32
  }
  func.func @transform_15(%arg0: i32) -> (i32, i32, i32) {
    %c0_i32 = arith.constant 0 : i32
    %c0_i32_0 = arith.constant 0 : i32
    %c0_i32_1 = arith.constant 0 : i32
    return %arg0, %c0_i32, %c0_i32_0 : i32, i32, i32
  }
  func.func @transform_16(%arg0: i32) -> (i32, i32) {
    %c0_i32 = arith.constant 0 : i32
    %c0_i32_0 = arith.constant 0 : i32
    %c0_i32_1 = arith.constant 0 : i32
    return %c0_i32, %c0_i32_0 : i32, i32
  }
  func.func @transform_17(%arg0: i32) -> (i32, i32) {
    %c0_i32 = arith.constant 0 : i32
    %c0_i32_0 = arith.constant 0 : i32
    %c0_i32_1 = arith.constant 0 : i32
    return %c0_i32, %c0_i32_0 : i32, i32
  }
  func.func @transform_18(%arg0: i32) -> (i32, i32) {
    %c0_i32 = arith.constant 0 : i32
    %c0_i32_0 = arith.constant 0 : i32
    %c0_i32_1 = arith.constant 0 : i32
    return %c0_i32, %c0_i32_0 : i32, i32
  }
  func.func @transform_19(%arg0: i32) -> (i32, i32) {
    %c0_i32 = arith.constant 0 : i32
    %c0_i32_0 = arith.constant 0 : i32
    %c0_i32_1 = arith.constant 0 : i32
    return %c0_i32, %c0_i32_0 : i32, i32
  }
  func.func @transform_20(%arg0: i32) -> (i32, i32) {
    %c0_i32 = arith.constant 0 : i32
    %c0_i32_0 = arith.constant 0 : i32
    return %arg0, %c0_i32 : i32, i32
  }
}

</mosaic_0001>

<sc_bundles>
// kernel: kernel.4.cloned.1.call-start
scs
__scs_entry_jumppad:
0x0: {  	(pc) =	sbr.rel $0x88, $3  }
0x1: {  	(tag) =	ssettag $0x0;
	lr =	simm.s32 $0x1  }
0x2: {  	[smem:$0x3F80] =	sst lr;
	_ =	strace $0xD0000000  }
0x3: {  	_ = 	snop  }
0x4: {  	_ = 	snop  }
0x5: {  	_ = 	snop  }
0x6: {  	_ = 	snop  }
0x7: {  	_ = 	snop  }
__scs_overlays_trampoline_lowered:
0x8: {  	[smem:$0x3F8F] =	sst s0  }
0x9: {  	[smem:$0x3F90] =	sst s1  }
0xa: {  	[smem:$0x3F91] =	sst s2  }
0xb: {  	[smem:$0x3F92] =	sst s3  }
0xc: {  	[smem:$0x3F93] =	sst s4  }
0xd: {  	[smem:$0x3F94] =	sst s5  }
0xe: {  	[smem:$0x3F95] =	sst s6  }
0xf: {  	[smem:$0x3F96] =	sst s7  }
0x10: {  	[smem:$0x3F97] =	sst s8  }
0x11: {  	[smem:$0x3F98] =	sst s9;
	s0 =	simm.s32 @!p0 $0x0  }
0x12: {  	s1 =	sld [smem:$0x3F7E];
	s0 =	simm.s32 @p0 $0x1  }
0x13: {  	[smem:$0x3F99] =	sst s0;
	s0 =	simm.s32 @!p1 $0x0  }
0x14: {  	s2 =	sld [smem:$0x3F7D];
	s0 =	simm.s32 @p1 $0x1  }
0x15: {  	[smem:$0x3F9A] =	sst s0;
	s0 =	simm.s32 @!p2 $0x0  }
0x16: {  	s3 =	sld [smem:$0x3FDB];
	s0 =	simm.s32 @p2 $0x1  }
0x17: {  	s4 =	simm.s32 $0x1BF5;
	[smem:$0x3F9C] =	sst s0  }
0x18: {  	s0 =	sld [smem:$0x3F7F];
	_ =	swait.ge [sflag:s4], $0x0  }
0x19: {  	s7 =	sld [smem:$0x3F80]  }
0x1a: {  	s8 =	sadd.s32 $0xFFFFE003, lr  }
0x1b: {  	s9 =	sadd.s32 $0xFFFFFEF7, lr;
	s5 =	simm.s32 $0xFFFFFFFF;
	p2 =	slt.u32 s8, $0xFFFFF086  }
0x1c: {  	p1 =	slt.u32 s9, $0xF7A;
	s5 =	simm.s32 @!p2 $0x0  }
0x1d: {  	s5 =	simm.s32 @p1 $0x1;
	p0 =	seq.s32 s7, s2  }
0x1e: {  	s7 =	smul.u32 @!p0 $0xF7A, s2;
	p2 =	seq.s32 @!p0 s5, $0x0  }
0x1f: {  	s9 =	smul.u32 $0xF7A, s1;
	s8 =	simm.s32 @!p0 $0x1BF5;
	p2 =	por !p2, p0  }
0x20: {  	[sflag:s8] =	ssyncset.s32 @!p0 $0xFFFFF086;
	s6 =	sadd.s32 @!p0 s3, s7;
	s7 =	simm.s32 @!p0 $0x108  }
0x21: {  	s3 =	sadd.s32 s3, s9;
	s6 =	sadd.s32 @!p0 $0x88, s6;
	s7 =	simm.s32 @p2 $0x1082  }
0x22: {  	[simem:s7], [sflag:s8] =	dma.local @!p0 [hbm:s6], $0xF7A  }
0x23: {  	s9 =	sor.u32 $0xD0000000, s2;
	s6 =	simm.s32 $0x108;
	_ =	swait.ge @!p0 [sflag:s8], $0x0  }
0x24: {  	s3 =	sadd.s32 $0x88, s3;
	s6 =	simm.s32 @!p1 $0x1082;
	[sflag:s4] =	ssyncset.s32 $0xFFFFF086  }
0x25: {  	[simem:s6], [sflag:s4] =	dma.local [hbm:s3], $0xF7A  }
0x26: {  	[smem:$0x3F80] =	sst s1;
	(tag) =	ssettag s2;
	_ =	strace s9  }
0x27: {  	s1 =	sld [smem:$0x3F90]  }
0x28: {  	s2 =	sld [smem:$0x3F91]  }
0x29: {  	s4 =	sld [smem:$0x3F93]  }
0x2a: {  	p0 =	seq.s32 s5, $0x0;
	s5 =	sld [smem:$0x3F94]  }
0x2b: {  	s6 =	sld [smem:$0x3F95]  }
0x2c: {  	s7 =	sld [smem:$0x3F96]  }
0x2d: {  	s3 =	simm.s32 $0x108;
	s8 =	sld [smem:$0x3F97]  }
0x2e: {  	s3 =	simm.s32 @!p0 $0x1082;
	s9 =	sld [smem:$0x3F98]  }
0x2f: {  	lr =	sadd.s32 s0, s3;
	s0 =	sld [smem:$0x3F8F]  }
0x30: {  	s3 =	sld [smem:$0x3F92]  }
0x31: {  	[smem:$0x3F9B] =	sst s10  }
0x32: {  	s10 =	sld [smem:$0x3F99];
	_ =	sdelay $0x3  }
0x33: {  	p0 =	seq.s32 s10, $0x1;
	s10 =	sld [smem:$0x3F9B];
	_ =	sdelay $0x3  }
0x34: {  	[smem:$0x3F9B] =	sst s10  }
0x35: {  	s10 =	sld [smem:$0x3F9A];
	_ =	sdelay $0x3  }
0x36: {  	p1 =	seq.s32 s10, $0x1;
	s10 =	sld [smem:$0x3F9B];
	_ =	sdelay $0x3  }
0x37: {  	[smem:$0x3F9B] =	sst s10  }
0x38: {  	s10 =	sld [smem:$0x3F9C]  }
0x39: {  	_ = 	snop;
	(pc) =	sbr.ind lr, $3  }
0x3a: {  	_ = 	snop  }
0x3b: {  	_ = 	snop  }
0x3c: {  	p2 =	seq.s32 s10, $0x1;
	s10 =	sld [smem:$0x3F9B]  }
0x3d: {  	_ =	shalt  }
0x3e: {  	_ =	shalt  }
0x3f: {  	_ =	shalt  }
0x40: {  	_ =	shalt  }
0x41: {  	_ =	shalt  }
0x42: {  	_ =	shalt  }
0x43: {  	_ =	shalt  }
0x44: {  	_ =	shalt  }
0x45: {  	_ =	shalt  }
0x46: {  	_ =	shalt  }
0x47: {  	_ =	shalt  }
0x48: {  	_ =	shalt  }
0x49: {  	_ =	shalt  }
0x4a: {  	_ =	shalt  }
0x4b: {  	_ =	shalt  }
0x4c: {  	_ =	shalt  }
0x4d: {  	_ =	shalt  }
0x4e: {  	_ =	shalt  }
0x4f: {  	_ =	shalt  }
0x50: {  	_ =	shalt  }
0x51: {  	_ =	shalt  }
0x52: {  	_ =	shalt  }
0x53: {  	_ =	shalt  }
0x54: {  	_ =	shalt  }
0x55: {  	_ =	shalt  }
0x56: {  	_ =	shalt  }
0x57: {  	_ =	shalt  }
0x58: {  	_ =	shalt  }
0x59: {  	_ =	shalt  }
0x5a: {  	_ =	shalt  }
0x5b: {  	_ =	shalt  }
0x5c: {  	_ =	shalt  }
0x5d: {  	_ =	shalt  }
0x5e: {  	_ =	shalt  }
0x5f: {  	_ =	shalt  }
0x60: {  	_ =	shalt  }
0x61: {  	_ =	shalt  }
0x62: {  	_ =	shalt  }
0x63: {  	_ =	shalt  }
0x64: {  	_ =	shalt  }
0x65: {  	_ =	shalt  }
0x66: {  	_ =	shalt  }
0x67: {  	_ =	shalt  }
0x68: {  	_ =	shalt  }
0x69: {  	_ =	shalt  }
0x6a: {  	_ =	shalt  }
0x6b: {  	_ =	shalt  }
0x6c: {  	_ =	shalt  }
0x6d: {  	_ =	shalt  }
0x6e: {  	_ =	shalt  }
0x6f: {  	_ =	shalt  }
0x70: {  	_ =	shalt  }
0x71: {  	_ =	shalt  }
0x72: {  	_ =	shalt  }
0x73: {  	_ =	shalt  }
0x74: {  	_ =	shalt  }
0x75: {  	_ =	shalt  }
0x76: {  	_ =	shalt  }
0x77: {  	_ =	shalt  }
0x78: {  	_ =	shalt  }
0x79: {  	_ =	shalt  }
0x7a: {  	_ =	shalt  }
0x7b: {  	_ =	shalt  }
0x7c: {  	_ =	shalt  }
0x7d: {  	_ =	shalt  }
0x7e: {  	_ =	shalt  }
0x7f: {  	_ =	shalt  }
0x80: {  	_ =	shalt  }
0x81: {  	_ =	shalt  }
0x82: {  	_ =	shalt  }
0x83: {  	_ =	shalt  }
0x84: {  	_ =	shalt  }
0x85: {  	_ =	shalt  }
0x86: {  	_ =	shalt  }
0x87: {  	_ =	shalt  }
.Lfunc_end0:
.L_simem_size_0:
called_computation_lowered:
.L_overlay_start_0:
0x88: {  	s2 =	sld [smem:$0x3FD9]  }
0x89: {  	s3 =	sld [smem:$0x3FFE];
	_ =	sdelay $0x1  }
0x8a: {  	s1 =	srdreg.scid  }
0x8b: {  	s0 =	sand.u32 $0x1, s1  }
0x8c: {  	s17 =	sshll.u32 s0, $0xA;
	s2 =	sadd.s32 s3, s2  }
0x8d: {  	s2 =	sadd.s32 s2, s17  }
0x8e: {  	[smem:$0x3FA7] =	sst s2  }
0x8f: {  	_ = 	snop  }
0x90: {  	s2 =	sld [smem:$0x3FD0];
	(tm) =	ssettm $0x1  }
0x91: {  	s18 =	sld [smem:$0x3FFB];
	_ =	sdelay $0x3  }
0x92: {  	_ =	strace s18  }
0x93: {  	s3 =	sld [smem:$0x3FFC];
	_ =	sdelay $0x3  }
0x94: {  	_ =	strace s3  }
0x95: {  	s3 =	sld [smem:$0x3FFD];
	_ =	sdelay $0x3  }
0x96: {  	_ =	strace s3  }
0x97: {  	_ =	strace $0x8FFFFFFF  }
0x98: {  	s19 =	sld [smem:$0x3FDB];
	_ =	sdelay $0x1  }
0x99: {  	s4 =	simm.s32 $_scs_section_size  }
0x9a: {  	s5 =	simm.s32 $_size__tile_overlayer_lowered;
	s6 =	simm.s32 $_tile_overlayer_lowered  }
0x9b: {  	s22 =	simm.s32 $0x1BFF;
	s21 =	sshll.u32 s6, $0x1;
	s3 =	sadd.s32 s4, s19  }
0x9c: {  	s7 =	simm.s32 $0x0;
	s20 =	sshll.u32 s5, $0x1;
	s5 =	sadd.s32 s21, s3  }
0x9d: {  	[timem:s7], [sflag:s22] =	dma.local [hbm:s5], s20  }
0x9e: {  	_ =	swait.ge [sflag:s22], s20  }
0x9f: {  	s4 =	ssub.s32 $0x0, s20;
	[sflag:s22] =	ssyncset.done $0x0  }
0xa0: {  	[sflag:s22] =	ssyncadd.s32 s4;
	_ =	sdelay $0x1  }
0xa1: {  	s23 =	simm.s32 $0x1B8B  }
0xa2: {  	_ =	swait.ge [sflag:s23], $0x1  }
0xa3: {  	[sflag:s23] =	ssyncset.done $0x0  }
0xa4: {  	s25 =	simm.s32 $0x1B8E;
	s24 =	sld [smem:$0x3FFE];
	[sflag:s23] =	ssyncadd.s32 $0xFFFFFFFF  }
0xa5: {  	s26 =	simm.s32 $execute0_lowered;
	[smem:$0x3FD2] =	sst s25  }
0xa6: {  	s5 =	sshll.u32 s26, $0x1;
	_ =	strace $0x80000046;
	[dreg:$0x1] =	wrdreg $0xFFFFFFFF  }
0xa7: {  	s28 =	simm.s32 $_size_execute0_lowered;
	s3 =	sadd.s32 s3, s5;
	[dreg:$0x0] =	wrdreg $0x0  }
0xa8: {  	s5 =	sshll.u32 s28, $0x1;
	[dreg:$0x2] =	wrdreg s3  }
0xa9: {  	[dreg:$0x3] =	wrdreg s5  }
0xaa: {  	[dreg:$0x4] =	wrdreg $0xC0  }
0xab: {  	_ =	task [dreg:s7], $0x5FFFF  }
0xac: {  	[dreg:$0x1] =	wrdreg $0xFFFFFFFF  }
0xad: {  	[dreg:$0x0] =	wrdreg $0x60  }
0xae: {  	[dreg:$0x2] =	wrdreg s2  }
0xaf: {  	[dreg:$0x3] =	wrdreg s24  }
0xb0: {  	[dreg:$0x4] =	wrdreg $0x9  }
0xb1: {  	_ =	task.clear_ibuf [dreg:s7], $0x5FFFF;
	_ =	strace $0x90000046  }
0xb2: {  	s29 =	simm.s32 $0x9;
	_ =	strace $0x80000048  }
0xb3: {  	_ =	swait.ge [sflag:s29], $0x1  }
0xb4: {  	[sflag:s29] =	ssyncadd.s32 $0xFFFFFFFF  }
0xb5: {  	_ =	strace $0x90000048  }
0xb6: {  	_ =	sfence  }
0xb7: {  	s30 =	sld [smem:$0x0];
	_ =	sdelay $0x2  }
0xb8: {  	s31 =	sshll.u32 s1, $0xD;
	s1 =	sshrl.u32 s1, $0x2  }
0xb9: {  	s3 =	sand.u32 $0x4000, s31;
	s1 =	sadd.s32 s1, s30  }
0xba: {  	s0 =	sor.u32 s3, s0;
	s1 =	sshll.u32 s1, $0x11  }
0xbb: {  	s0 =	sor.u32 s1, s0  }
0xbc: {  	s0 =	sadd.s32 $0x8F2B, s0  }
0xbd: {  	[sflag:s0] =	ssyncadd.remote.s32 $0x1  }
0xbe: {  	_ =	sfence.sel $0xFFFF  }
0xbf: {  	[dreg:$0x0] =	wrdreg $0xFFFFFFFF;
	(pc) =	sbr.abs _section_cstart, $3  }
0xc0: {  	[dreg:$0x1] =	wrdreg $0xFFFFFFFF  }
0xc1: {  	_ =	task.clear_ibuf [dreg:s7], $0x2FFFF;
	_ =	strace $0x9FFFFFFF  }
0xc2: {  	(tm) =	ssettm $0x7FFFFFFF  }
0xc3: {  	_ =	shalt  }
tec
execute0_lowered:
.L_overlay_start_1:
0x0: {  	(tag) =	ssettag $0x1  }
0x1: {  	s1 =	srdreg.scid  }
0x2: {  	s0 =	stileid.u32;
	s2 =	rddreg [dreg:$0x0]  }
0x3: {  	s5 =	rddreg [dreg:$0x1];
	s3 =	simm.s32 $0x0;
	s10 =	simm.s32 $0x48  }
0x4: {  	s11 =	simm.s32 $0x4800;
	s12 =	simm.s32 $0x90;
	s13 =	simm.s32 $0x6C00  }
0x5: {  	s14 =	simm.s32 $0xD8;
	s15 =	simm.s32 $0x9000;
	s16 =	simm.s32 $0xB400  }
0x6: {  	s17 =	simm.s32 $0xD800;
	s18 =	simm.s32 $0xFC00;
	s19 =	simm.s32 $0x12000  }
0x7: {  	s20 =	simm.s32 $0x1;
	s21 =	simm.s32 $0x2;
	s22 =	simm.s32 $0x3  }
0x8: {  	s4 =	sand.u32 $0x1, s1;
	s30 =	sshll.u32 s0, $0x1;
	s7 =	smul.u32 $0x48000, s0  }
0x9: {  	s1 =	sor.u32 s4, s30;
	s8 =	ssub.s32 $0x2, s4;
	s4 =	smul.u32 $0x24000, s4  }
0xa: {  	s23 =	simm.s32 $0x4;
	[smem:$0x7FF] =	sst s3;
	s6 =	smul.u32 $0x480, s1  }
.Ltmp0:
0xb: {  	s24 =	simm.s32 $0x0;
	s1 =	rddreg [dreg:$0x2];
	(pc) =	sbr.rel .LBB2_1-.Ltmp0, $4  }
0xc: {  	_ =	strace $0x80000047;
	s7 =	sadd.s32 s7, s5;
	s9 =	sshrl.u32 s8, $0x1  }
0xd: {  	s31 =	ssub.s32 s8, s9;
	s7 =	sadd.s32 s4, s7;
	s8 =	simm.s32 $0x47  }
0xe: {  	s9 =	simm.s32 $0x2400;
	s5 =	sadd.s32 s6, s5;
	s6 =	sadd.s32 $0xB800, s7  }
0xf: {  	s7 =	simm.s32 $0x5;
	s4 =	sadd.s32 $0x2800, s5;
	s5 =	smax.u32 s31, $0x1  }
.LBB2_4:
0x10: {  	s24 =	sadd.s32 $0x1, s24  }
0x11: {  	p0 =	sne.s32 s24, s5  }
.Ltmp1:
0x12: {  	_ = 	snop;
	(pc) =	sbr.rel @!p0 .LBB2_5-.Ltmp1, $4  }
0x13: {  	_ = 	snop  }
0x14: {  	_ =	swait.ge [sflag:s23], $0x8E00  }
0x15: {  	[sflag:s23] =	ssyncset.done $0x0  }
0x16: {  	[sflag:s23] =	ssyncadd.s32 $0xFFFF7200  }
.LBB2_1:
0x17: {  	[tilespmem:s3], [sflag:$0x5] =	stream.linear.gather [hbm4b:s4+s3], $0x2400, $0x38;
	[tilespmem:$0x14400] =	vst v63  }
0x18: {  	_ =	swait.ge [sflag:s7], $0x2400  }
0x19: {  	[sflag:s7] =	ssyncset.done $0x0  }
0x1a: {  	[sflag:s7] =	ssyncadd.s32 $0xFFFFDC00  }
0x1b: {  	[tilespmem:s9], [sflag:$0x1] =	stream.indirect.gather [hbm4b:s2+s8], $0x80, s3, s8, $0xb8;
	[tilespmem:$0x14400] =	vst v63  }
0x1c: {  	_ = 	snop  }
0x1d: {  	[tilespmem:s11], [sflag:$0x1] =	stream.indirect.gather [hbm4b:s2+s8], $0x80, s10, s8, $0xb8;
	[tilespmem:$0x14400] =	vst v63  }
0x1e: {  	_ = 	snop  }
0x1f: {  	[tilespmem:s13], [sflag:$0x1] =	stream.indirect.gather [hbm4b:s2+s8], $0x80, s12, s8, $0xb8;
	[tilespmem:$0x14400] =	vst v63  }
0x20: {  	s25 =	smov.u32 s6;
	s26 =	simm.s32 $0x0  }
0x21: {  	[tilespmem:s15], [sflag:$0x1] =	stream.indirect.gather [hbm4b:s2+s8], $0x80, s14, s8, $0xb8;
	[tilespmem:$0x14400] =	vst v63  }
.LBB2_2:
0x22: {  	p0 =	seq.s32 s26, $0x0  }
0x23: {  	s29 =	simm.s32 @!p0 $0x4  }
0x24: {  	_ =	swait.ge @!p0 [sflag:s29], $0x8E00  }
0x25: {  	s28 =	sshra.s32 s26, $0x2;
	[sflag:s29] =	ssyncset.done @!p0 $0x0  }
0x26: {  	s31 =	sadd.s32 $0x120, s28;
	[sflag:s29] =	ssyncadd.s32 @!p0 $0xFFFF7200  }
0x27: {  	[tilespmem:s16], [sflag:$0x2] =	stream.indirect.gather [hbm4b:s2+s8], $0x80, s31, s8, $0xb8;
	[tilespmem:$0x14400] =	vst v63  }
0x28: {  	s30 =	sadd.s32 $0x168, s28  }
0x29: {  	[tilespmem:s17], [sflag:$0x2] =	stream.indirect.gather [hbm4b:s2+s8], $0x80, s30, s8, $0xb8;
	[tilespmem:$0x14400] =	vst v63  }
0x2a: {  	s31 =	sadd.s32 $0x1B0, s28  }
0x2b: {  	[tilespmem:s18], [sflag:$0x2] =	stream.indirect.gather [hbm4b:s2+s8], $0x80, s31, s8, $0xb8;
	[tilespmem:$0x14400] =	vst v63  }
0x2c: {  	s30 =	sadd.s32 $0x1F8, s28  }
0x2d: {  	[tilespmem:s19], [sflag:$0x2] =	stream.indirect.gather [hbm4b:s2+s8], $0x80, s30, s8, $0xb8;
	[tilespmem:$0x14400] =	vst v63  }
0x2e: {  	_ =	swait.ge [sflag:s20], $0x2380  }
0x2f: {  	[sflag:s20] =	ssyncset.done $0x0  }
0x30: {  	[sflag:s20] =	ssyncadd.s32 $0xFFFFDC80  }
0x31: {  	_ =	swait.ge [sflag:s20], $0x2380  }
0x32: {  	[sflag:s20] =	ssyncset.done $0x0  }
0x33: {  	[sflag:s20] =	ssyncadd.s32 $0xFFFFDC80  }
0x34: {  	_ =	swait.ge [sflag:s20], $0x2380  }
0x35: {  	[sflag:s20] =	ssyncset.done $0x0  }
0x36: {  	[sflag:s20] =	ssyncadd.s32 $0xFFFFDC80  }
0x37: {  	_ =	swait.ge [sflag:s20], $0x2380  }
0x38: {  	[sflag:s20] =	ssyncset.done $0x0  }
0x39: {  	[sflag:s20] =	ssyncadd.s32 $0xFFFFDC80  }
0x3a: {  	[hbm4b:s25+s3] =	stream.linear.scatter [tilespmem:s9], [sflag:$0x3], $0x2380, $0x38;
	[tilespmem:$0x14400] =	vst v63  }
0x3b: {  	s31 =	sadd.s32 $0x480, s25  }
0x3c: {  	[hbm4b:s31+s3] =	stream.linear.scatter [tilespmem:s11], [sflag:$0x3], $0x2380, $0x38;
	[tilespmem:$0x14400] =	vst v63  }
0x3d: {  	s30 =	sadd.s32 $0x900, s25  }
0x3e: {  	[hbm4b:s30+s3] =	stream.linear.scatter [tilespmem:s13], [sflag:$0x3], $0x2380, $0x38;
	[tilespmem:$0x14400] =	vst v63  }
0x3f: {  	s31 =	sadd.s32 $0xD80, s25  }
0x40: {  	[hbm4b:s31+s3] =	stream.linear.scatter [tilespmem:s15], [sflag:$0x3], $0x2380, $0x38;
	[tilespmem:$0x14400] =	vst v63  }
0x41: {  	_ =	swait.ge [sflag:s21], $0x2380  }
0x42: {  	[sflag:s21] =	ssyncset.done $0x0  }
0x43: {  	[sflag:s21] =	ssyncadd.s32 $0xFFFFDC80  }
0x44: {  	_ =	swait.ge [sflag:s21], $0x2380  }
0x45: {  	[sflag:s21] =	ssyncset.done $0x0  }
0x46: {  	[sflag:s21] =	ssyncadd.s32 $0xFFFFDC80  }
0x47: {  	_ =	swait.ge [sflag:s21], $0x2380  }
0x48: {  	[sflag:s21] =	ssyncset.done $0x0  }
0x49: {  	[sflag:s21] =	ssyncadd.s32 $0xFFFFDC80  }
0x4a: {  	_ =	swait.ge [sflag:s21], $0x2380  }
0x4b: {  	[sflag:s21] =	ssyncset.done $0x0  }
0x4c: {  	s30 =	sadd.s32 $0x1200, s25;
	[sflag:s21] =	ssyncadd.s32 $0xFFFFDC80  }
0x4d: {  	[hbm4b:s30+s3] =	stream.linear.scatter [tilespmem:s16], [sflag:$0x4], $0x2380, $0x38;
	[tilespmem:$0x14400] =	vst v63  }
0x4e: {  	s31 =	sadd.s32 $0x1680, s25  }
0x4f: {  	[hbm4b:s31+s3] =	stream.linear.scatter [tilespmem:s17], [sflag:$0x4], $0x2380, $0x38;
	[tilespmem:$0x14400] =	vst v63  }
0x50: {  	p0 =	seq.s32 s26, $0x8700;
	s30 =	sadd.s32 $0x1B00, s25  }
0x51: {  	[hbm4b:s30+s3] =	stream.linear.scatter [tilespmem:s18], [sflag:$0x4], $0x2380, $0x38;
	[tilespmem:$0x14400] =	vst v63  }
.Ltmp2:
0x52: {  	s31 =	sadd.s32 $0x1F80, s25;
	(pc) =	sbr.rel @p0 .LBB2_4-.Ltmp2, $4  }
0x53: {  	[hbm4b:s31+s3] =	stream.linear.scatter [tilespmem:s19], [sflag:$0x4], $0x2380, $0x38;
	[tilespmem:$0x14400] =	vst v63  }
0x54: {  	_ =	swait.ge [sflag:s22], $0x8E00  }
0x55: {  	[sflag:s22] =	ssyncset.done $0x0  }
0x56: {  	[sflag:s22] =	ssyncadd.s32 $0xFFFF7200  }
0x57: {  	s29 =	sadd.s32 $0x240, s28  }
0x58: {  	[tilespmem:s9], [sflag:$0x1] =	stream.indirect.gather [hbm4b:s2+s8], $0x80, s29, s8, $0xb8;
	[tilespmem:$0x14400] =	vst v63  }
0x59: {  	s31 =	sadd.s32 $0x288, s28  }
0x5a: {  	[tilespmem:s11], [sflag:$0x1] =	stream.indirect.gather [hbm4b:s2+s8], $0x80, s31, s8, $0xb8;
	[tilespmem:$0x14400] =	vst v63  }
.Ltmp3:
0x5b: {  	_ = 	snop;
	(pc) =	sbr.rel .LBB2_2-.Ltmp3, $4  }
0x5c: {  	s30 =	sadd.s32 $0x2D0, s28  }
0x5d: {  	[tilespmem:s13], [sflag:$0x1] =	stream.indirect.gather [hbm4b:s2+s8], $0x80, s30, s8, $0xb8;
	[tilespmem:$0x14400] =	vst v63  }
0x5e: {  	s26 =	sadd.s32 $0x900, s26;
	s25 =	sadd.s32 $0x2400, s25;
	s31 =	sadd.s32 $0x318, s28  }
0x5f: {  	[tilespmem:s15], [sflag:$0x1] =	stream.indirect.gather [hbm4b:s2+s8], $0x80, s31, s8, $0xb8;
	[tilespmem:$0x14400] =	vst v63  }
.LBB2_5:
0x60: {  	_ =	sfence.sel $0x180000  }
0x61: {  	[bflag:$0x0] =	sbarrier.arrive $0xFFFF  }
0x62: {  	p0 =	sne.s32 s0, $0x0;
	_ =	strace $0x90000047  }
0x63: {  	s0 =	sadd.s32 @!p0 $0x100000, s1;
	[bflag:$0x2] =	sbarrier.arrive $0xFFFF  }
0x64: {  	[sflag:s0] =	ssyncadd.tile.s32 @!p0 $0x1;
	_ =	shalt  }
.Lfunc_end2:
_tile_overlayer_lowered:
.L_overlay_start_2:
0x65: {  	(tag) =	ssettag $0x2  }
0x66: {  	s0 =	rddreg [dreg:$0x0];
	s2 =	stileid.u32  }
0x67: {  	s1 =	rddreg [dreg:$0x1];
	p0 =	sne.s32 s2, $0x0  }
0x68: {  	s3 =	rddreg [dreg:$0x2];
	[bflag:$0x3] =	sbarrier.arrive $0xFFFF;
	s2 =	simm.s32 @!p0 $0x1C05  }
0x69: {  	[timem:s3], [sflag:s2] =	dma.local @!p0 [hbm:s0], s1  }
0x6a: {  	s0 =	simm.s32 @!p0 $0x5  }
0x6b: {  	_ =	swait.ge @!p0 [sflag:s0], s1  }
0x6c: {  	s1 =	ssub.s32 @!p0 $0x0, s1;
	[sflag:s0] =	ssyncset.done @!p0 $0x0  }
0x6d: {  	[sflag:s0] =	ssyncadd.s32 @!p0 s1  }
0x6e: {  	[bflag:$0x3] =	sbarrier.arrive $0xFFFF  }
0x6f: {  	_ =	shalt  }

</sc_bundles>
